<compile_context>
chip_gen: v7x
topology: tpu7x:2x2x1
jax: 0.10.2.dev20260603
libtpu: 0.0.44.dev20260713+nightly
codegen_flags: <defaults>
</compile_context>

<pallas_src>
import jax
import jax.numpy as jnp
from jax import lax
from jax.experimental import pallas as pl
from jax.experimental.pallas import tpu as pltpu
from jax.experimental.pallas import tpu_sc as plsc

NC = 2
NS = 16
NW = NC * NS
LANES = 16
CHUNK = 128

N = 10000
E = 320000
D = 128
NP = 10240
PER_TILE = NP // NS
KCH = 80
EPW = KCH * CHUNK
EP = NW * EPW
R = EP // CHUNK
KR = KCH


def _zero_f32(ref, n):
    def body(i, _):
        ref[pl.ds(i * LANES, LANES)] = jnp.zeros((LANES,), jnp.float32)
        return 0
    lax.fori_loop(0, n // LANES, body, 0)


def _deg_body(dst2, deg0, deg1, idx_v, ones_v, zrow, deg_sh):
    cid = lax.axis_index("c")
    sid = lax.axis_index("s")
    wid = sid * NC + cid
    _zero_f32(zrow, PER_TILE)
    def fill1(i, _):
        ones_v[pl.ds(i * LANES, LANES)] = jnp.full((LANES,), 1.0, jnp.float32)
        return 0
    lax.fori_loop(0, CHUNK // LANES, fill1, 0)
    pltpu.sync_copy(zrow, deg_sh.at[pl.ds(sid * PER_TILE, PER_TILE)])
    plsc.subcore_barrier()
    pltpu.sync_copy(dst2.at[pl.ds(wid * KR, KR)], idx_v)
    def body(j, _):
        pltpu.sync_copy(ones_v, deg_sh.at[idx_v.at[j]], add=True)
        return 0
    lax.fori_loop(0, KR, body, 0)
    plsc.subcore_barrier()

    @pl.when(cid == 0)
    def _():
        pltpu.sync_copy(deg_sh.at[pl.ds(sid * PER_TILE, PER_TILE)],
                        deg0.at[pl.ds(sid * PER_TILE, PER_TILE)])

    @pl.when(cid == 1)
    def _():
        pltpu.sync_copy(deg_sh.at[pl.ds(sid * PER_TILE, PER_TILE)],
                        deg1.at[pl.ds(sid * PER_TILE, PER_TILE)])


_deg_kernel = pl.kernel(
    _deg_body,
    out_type=[
        jax.ShapeDtypeStruct((NP,), jnp.float32),
        jax.ShapeDtypeStruct((NP,), jnp.float32),
    ],
    mesh=plsc.VectorSubcoreMesh(core_axis_name="c", subcore_axis_name="s"),
    scratch_types=[
        pltpu.VMEM((KR, CHUNK), jnp.int32),
        pltpu.VMEM((CHUNK,), jnp.float32),
        pltpu.VMEM((PER_TILE,), jnp.float32),
        pltpu.VMEM_SHARED((NP,), jnp.float32),
    ],
)


def _dense1_body(x_ref, w_ref, d0_ref, d1_ref, g_ref, dis_ref):
    i = pl.program_id(0)
    deg = d0_ref[...] + d1_ref[...] + 1.0
    dis = lax.rsqrt(deg)
    rowid = lax.broadcasted_iota(jnp.int32, dis.shape, 0) + i * dis.shape[0]
    dis = jnp.where(rowid < N, dis, 0.0)
    dis_ref[...] = dis
    h = jnp.dot(x_ref[...], w_ref[...], preferred_element_type=jnp.float32)
    g_ref[...] = h * dis


def _dense1(xp, W1, deg0c, deg1c):
    BR = PER_TILE
    grid = NP // BR
    return pl.pallas_call(
        _dense1_body,
        grid=(grid,),
        in_specs=[
            pl.BlockSpec((BR, D), lambda i: (i, 0)),
            pl.BlockSpec((D, D), lambda i: (0, 0)),
            pl.BlockSpec((BR, 1), lambda i: (i, 0)),
            pl.BlockSpec((BR, 1), lambda i: (i, 0)),
        ],
        out_specs=[
            pl.BlockSpec((BR, D), lambda i: (i, 0)),
            pl.BlockSpec((BR, 1), lambda i: (i, 0)),
        ],
        out_shape=[
            jax.ShapeDtypeStruct((NP, D), jnp.float32),
            jax.ShapeDtypeStruct((NP, 1), jnp.float32),
        ],
    )(xp, W1, deg0c, deg1c)


NBUF = 3


def _scatter_body(g16_hbm, src2, dst2, dis_hbm, acc0, acc1, wacc0, wacc1,
                  sidx, didx, rb0, rb1, rb2, dval0, dval1, dval2, zrow,
                  g16_sh, acc_sh, wacc_sh,
                  gsem0, gsem1, gsem2, dsem0, dsem1, dsem2,
                  ssem0, ssem1, ssem2, wsem0, wsem1, wsem2):
    cid = lax.axis_index("c")
    sid = lax.axis_index("s")
    wid = sid * NC + cid
    rb = (rb0, rb1, rb2)
    dval = (dval0, dval1, dval2)
    gsem = (gsem0, gsem1, gsem2)
    dsem = (dsem0, dsem1, dsem2)
    ssem = (ssem0, ssem1, ssem2)
    wsem = (wsem0, wsem1, wsem2)

    def zfill(i, _):
        r = i // 4
        c = (i % 4) * 32
        rb0[r, pl.ds(c, 32)] = jnp.zeros((32,), jnp.bfloat16)
        return 0
    lax.fori_loop(0, 64, zfill, 0)
    _zero_f32(zrow, PER_TILE)

    pltpu.sync_copy(g16_hbm.at[pl.ds(sid * PER_TILE, PER_TILE)],
                    g16_sh.at[pl.ds(sid * PER_TILE, PER_TILE)])
    def zbody(t, _):
        pltpu.sync_copy(rb0.at[pl.ds(0, 16)],
                        acc_sh.at[pl.ds(sid * PER_TILE + t * 16, 16)])
        return 0
    lax.fori_loop(0, PER_TILE // 16, zbody, 0)
    pltpu.sync_copy(zrow, wacc_sh.at[pl.ds(sid * PER_TILE, PER_TILE)])
    plsc.subcore_barrier()

    pltpu.sync_copy(src2.at[pl.ds(wid * KR, KR)], sidx)
    pltpu.sync_copy(dst2.at[pl.ds(wid * KR, KR)], didx)

    def step(jj, slot, prefetch, pending):
        if prefetch:
            nxt = jj + 2
            ns = (slot + 2) % NBUF
            if pending is True:
                pltpu.make_async_copy(rb[ns], acc_sh.at[didx.at[jj - 1]],
                                      ssem[ns]).wait()
                pltpu.make_async_copy(dval[ns], wacc_sh.at[sidx.at[jj - 1]],
                                      wsem[ns]).wait()
            elif pending is not False:
                @pl.when(pending)
                def _():
                    pltpu.make_async_copy(rb[ns], acc_sh.at[didx.at[jj - 1]],
                                          ssem[ns]).wait()
                    pltpu.make_async_copy(dval[ns],
                                          wacc_sh.at[sidx.at[jj - 1]],
                                          wsem[ns]).wait()
            pltpu.async_copy(g16_sh.at[sidx.at[nxt]], rb[ns], gsem[ns])
            pltpu.async_copy(dis_hbm.at[didx.at[nxt]], dval[ns], dsem[ns])
        pltpu.make_async_copy(g16_sh.at[sidx.at[jj]], rb[slot],
                              gsem[slot]).wait()
        pltpu.make_async_copy(dis_hbm.at[didx.at[jj]], dval[slot],
                              dsem[slot]).wait()
        pltpu.async_copy(rb[slot], acc_sh.at[didx.at[jj]], ssem[slot],
                         add=True)
        pltpu.async_copy(dval[slot], wacc_sh.at[sidx.at[jj]], wsem[slot],
                         add=True)

    for p in range(2):
        pltpu.async_copy(g16_sh.at[sidx.at[p]], rb[p], gsem[p])
        pltpu.async_copy(dis_hbm.at[didx.at[p]], dval[p], dsem[p])

    def tri(j, _):
        step(3 * j, 0, True, j > 0)
        step(3 * j + 1, 1, True, True)
        step(3 * j + 2, 2, True, True)
        return 0
    lax.fori_loop(0, (KCH - 2) // 3, tri, 0)
    step(KCH - 2, (KCH - 2) % NBUF, False, True)
    step(KCH - 1, (KCH - 1) % NBUF, False, True)
    for back in range(NBUF):
        cidx = KCH - 1 - back
        slot = cidx % NBUF
        pltpu.make_async_copy(rb[slot], acc_sh.at[didx.at[cidx]],
                              ssem[slot]).wait()
        pltpu.make_async_copy(dval[slot], wacc_sh.at[sidx.at[cidx]],
                              wsem[slot]).wait()

    plsc.subcore_barrier()

    @pl.when(cid == 0)
    def _():
        pltpu.sync_copy(acc_sh.at[pl.ds(sid * PER_TILE, PER_TILE)],
                        acc0.at[pl.ds(sid * PER_TILE, PER_TILE)])
        pltpu.sync_copy(wacc_sh.at[pl.ds(sid * PER_TILE, PER_TILE)],
                        wacc0.at[pl.ds(sid * PER_TILE, PER_TILE)])

    @pl.when(cid == 1)
    def _():
        pltpu.sync_copy(acc_sh.at[pl.ds(sid * PER_TILE, PER_TILE)],
                        acc1.at[pl.ds(sid * PER_TILE, PER_TILE)])
        pltpu.sync_copy(wacc_sh.at[pl.ds(sid * PER_TILE, PER_TILE)],
                        wacc1.at[pl.ds(sid * PER_TILE, PER_TILE)])


_scatter_kernel = pl.kernel(
    _scatter_body,
    out_type=[
        jax.ShapeDtypeStruct((NP, D), jnp.bfloat16),
        jax.ShapeDtypeStruct((NP, D), jnp.bfloat16),
        jax.ShapeDtypeStruct((NP,), jnp.float32),
        jax.ShapeDtypeStruct((NP,), jnp.float32),
    ],
    mesh=plsc.VectorSubcoreMesh(core_axis_name="c", subcore_axis_name="s"),
    compiler_params=pltpu.CompilerParams(needs_layout_passes=False,
                                         use_tc_tiling_on_sc=False),
    scratch_types=[
        pltpu.VMEM((KR, CHUNK), jnp.int32),
        pltpu.VMEM((KR, CHUNK), jnp.int32),
        pltpu.VMEM((CHUNK, D), jnp.bfloat16),
        pltpu.VMEM((CHUNK, D), jnp.bfloat16),
        pltpu.VMEM((CHUNK, D), jnp.bfloat16),
        pltpu.VMEM((CHUNK,), jnp.float32),
        pltpu.VMEM((CHUNK,), jnp.float32),
        pltpu.VMEM((CHUNK,), jnp.float32),
        pltpu.VMEM((PER_TILE,), jnp.float32),
        pltpu.VMEM_SHARED((NP, D), jnp.bfloat16),
        pltpu.VMEM_SHARED((NP, D), jnp.bfloat16),
        pltpu.VMEM_SHARED((NP,), jnp.float32),
    ] + [pltpu.SemaphoreType.DMA] * 12,
)


def _dense2_body(a0_ref, a1_ref, g_ref, dis_ref, wa0_ref, wa1_ref,
                 b1_ref, w2_ref, b2_ref, out_ref, vacc):
    i = pl.program_id(0)
    a = (a0_ref[...].astype(jnp.float32) + a1_ref[...].astype(jnp.float32)
         + g_ref[...])
    dis = dis_ref[...]
    h2 = jnp.maximum(a * dis + b1_ref[...], 0.0)
    w = dis * (wa0_ref[...] + wa1_ref[...] + dis)
    part = jnp.sum(h2 * w, axis=0, keepdims=True)

    @pl.when(i == 0)
    def _():
        vacc[...] = part

    @pl.when(i > 0)
    def _():
        vacc[...] = vacc[...] + part

    @pl.when(i == pl.num_programs(0) - 1)
    def _():
        out_ref[...] = jnp.dot(vacc[...] * (1.0 / N), w2_ref[...],
                               preferred_element_type=jnp.float32) + b2_ref[...]


def _dense2(acc0, acc1, g, dis_col, wa0c, wa1c, b1r, W2, b2r):
    BR = PER_TILE
    grid = NP // BR
    return pl.pallas_call(
        _dense2_body,
        grid=(grid,),
        in_specs=[
            pl.BlockSpec((BR, D), lambda i: (i, 0)),
            pl.BlockSpec((BR, D), lambda i: (i, 0)),
            pl.BlockSpec((BR, D), lambda i: (i, 0)),
            pl.BlockSpec((BR, 1), lambda i: (i, 0)),
            pl.BlockSpec((BR, 1), lambda i: (i, 0)),
            pl.BlockSpec((BR, 1), lambda i: (i, 0)),
            pl.BlockSpec((1, D), lambda i: (0, 0)),
            pl.BlockSpec((D, D), lambda i: (0, 0)),
            pl.BlockSpec((1, D), lambda i: (0, 0)),
        ],
        out_specs=pl.BlockSpec((1, D), lambda i: (0, 0)),
        out_shape=jax.ShapeDtypeStruct((1, D), jnp.float32),
        scratch_shapes=[pltpu.VMEM((1, D), jnp.float32)],
    )(acc0, acc1, g, dis_col, wa0c, wa1c, b1r, W2, b2r)


def kernel(x, edge_index, W1, b1, W2, b2):
    src = edge_index[0]
    dst = edge_index[1]
    pad = jnp.full((EP - E,), N, dtype=jnp.int32)
    src2 = jnp.concatenate([src, pad]).reshape(R, CHUNK)
    dst2 = jnp.concatenate([dst, pad]).reshape(R, CHUNK)
    xp = jnp.concatenate([x, jnp.zeros((NP - N, D), jnp.float32)], axis=0)

    deg0, deg1 = _deg_kernel(dst2)
    g, dis_col = _dense1(xp, W1, deg0.reshape(NP, 1), deg1.reshape(NP, 1))
    g16 = g.astype(jnp.bfloat16)
    acc0, acc1, wacc0, wacc1 = _scatter_kernel(
        g16, src2, dst2, dis_col.reshape(NP))
    out = _dense2(acc0, acc1, g, dis_col,
                  wacc0.reshape(NP, 1), wacc1.reshape(NP, 1),
                  b1.reshape(1, D), W2, b2.reshape(1, D))
    return out

# --- scband reference (transcript-rebuilt; emitter-appended) ---
"""Pipeline reference for scband-graph-nn-48498770707162 (READ-ONLY COPY).

The authoritative reference and input builder live on the scoring server;
editing this copy changes nothing except your own understanding.
"""

import jax, jax.numpy as jnp
import numpy as np

N = 10000
E = 320000
D_IN = 128
D_H = 128
D_OUT = 128


def setup_inputs(seed: int = 0) -> dict:
    key = jax.random.key(seed)
    k1, k2, k3, k4 = jax.random.split(key, 4)
    x = jax.random.normal(k1, (N, D_IN), dtype=jnp.float32)
    edge_index = jax.random.randint(k2, (2, E), 0, N, dtype=jnp.int32)
    W1 = jax.random.normal(k3, (D_IN, D_H), dtype=jnp.float32) * (1.0 / np.sqrt(D_IN))
    b1 = jnp.zeros((D_H,), dtype=jnp.float32)
    W2 = jax.random.normal(k4, (D_H, D_OUT), dtype=jnp.float32) * (1.0 / np.sqrt(D_H))
    b2 = jnp.zeros((D_OUT,), dtype=jnp.float32)
    return {"x": x, "edge_index": edge_index, "W1": W1, "b1": b1, "W2": W2, "b2": b2}


def _gcn_conv(x, edge_index, W, b):
    # PyG GCNConv with default add_self_loops=True, normalize=True (symmetric gcn_norm)
    src = edge_index[0]
    dst = edge_index[1]
    sl = jnp.arange(N, dtype=edge_index.dtype)
    src = jnp.concatenate([src, sl], axis=0)
    dst = jnp.concatenate([dst, sl], axis=0)
    deg = jnp.zeros((N,), dtype=x.dtype).at[dst].add(1.0)
    deg_inv_sqrt = jnp.where(deg > 0, 1.0 / jnp.sqrt(deg), 0.0)
    norm = deg_inv_sqrt[src] * deg_inv_sqrt[dst]
    h = x @ W
    msg = h[src] * norm[:, None]
    out = jnp.zeros((N, W.shape[1]), dtype=x.dtype).at[dst].add(msg)
    return out + b


def reference(x, edge_index, W1, b1, W2, b2):
    h = jax.nn.relu(_gcn_conv(x, edge_index, W1, b1))
    h = _gcn_conv(h, edge_index, W2, b2)
    return jnp.mean(h, axis=0, keepdims=True)

if __name__ == "__main__":
    import jax
    _d = setup_inputs()
    print(jax.jit(kernel)(*tuple(_d.values())))

</pallas_src>

<mosaic_0001>
#map = affine_map<(d0, d1) -> (0, 0)>
#map1 = affine_map<(d0, d1) -> (0)>
module attributes {stable_mosaic.version = 14 : i64} {
  func.func @_scatter_body(%arg0: i32, %arg1: i32, %arg2: memref<10240x128xbf16, #tpu.memory_space<hbm>>, %arg3: memref<2560x128xi32, #tpu.memory_space<hbm>>, %arg4: memref<2560x128xi32, #tpu.memory_space<hbm>>, %arg5: memref<10240xf32, #tpu.memory_space<hbm>>, %arg6: memref<10240x128xbf16, #tpu.memory_space<hbm>>, %arg7: memref<10240x128xbf16, #tpu.memory_space<hbm>>, %arg8: memref<10240xf32, #tpu.memory_space<hbm>>, %arg9: memref<10240xf32, #tpu.memory_space<hbm>>, %arg10: memref<80x128xi32, #tpu.memory_space<vmem>>, %arg11: memref<80x128xi32, #tpu.memory_space<vmem>>, %arg12: memref<128x128xbf16, #tpu.memory_space<vmem>>, %arg13: memref<128x128xbf16, #tpu.memory_space<vmem>>, %arg14: memref<128x128xbf16, #tpu.memory_space<vmem>>, %arg15: memref<128xf32, #tpu.memory_space<vmem>>, %arg16: memref<128xf32, #tpu.memory_space<vmem>>, %arg17: memref<128xf32, #tpu.memory_space<vmem>>, %arg18: memref<640xf32, #tpu.memory_space<vmem>>, %arg19: memref<10240x128xbf16, #tpu.memory_space<vmem_shared>>, %arg20: memref<10240x128xbf16, #tpu.memory_space<vmem_shared>>, %arg21: memref<10240xf32, #tpu.memory_space<vmem_shared>>, %arg22: memref<!tpu.dma_semaphore, #tpu.memory_space<semaphore_mem>>, %arg23: memref<!tpu.dma_semaphore, #tpu.memory_space<semaphore_mem>>, %arg24: memref<!tpu.dma_semaphore, #tpu.memory_space<semaphore_mem>>, %arg25: memref<!tpu.dma_semaphore, #tpu.memory_space<semaphore_mem>>, %arg26: memref<!tpu.dma_semaphore, #tpu.memory_space<semaphore_mem>>, %arg27: memref<!tpu.dma_semaphore, #tpu.memory_space<semaphore_mem>>, %arg28: memref<!tpu.dma_semaphore, #tpu.memory_space<semaphore_mem>>, %arg29: memref<!tpu.dma_semaphore, #tpu.memory_space<semaphore_mem>>, %arg30: memref<!tpu.dma_semaphore, #tpu.memory_space<semaphore_mem>>, %arg31: memref<!tpu.dma_semaphore, #tpu.memory_space<semaphore_mem>>, %arg32: memref<!tpu.dma_semaphore, #tpu.memory_space<semaphore_mem>>, %arg33: memref<!tpu.dma_semaphore, #tpu.memory_space<semaphore_mem>>) attributes {dimension_semantics = [#tpu.dimension_semantics<core_parallel>, #tpu.dimension_semantics<subcore_parallel>], iteration_bounds = array<i64: 2, 16>, scalar_prefetch = 0 : i64, scratch_operands = 24 : i64, tpu.core_type = #tpu.core_type<sc_vector_subcore>, window_params = [{transform_indices = #map}, {transform_indices = #map}, {transform_indices = #map}, {transform_indices = #map1}, {transform_indices = #map}, {transform_indices = #map}, {transform_indices = #map1}, {transform_indices = #map1}]} {
    %mul3A = arith.constant 2 : i32
    %mul3A_0 = arith.muli %arg1, %mul3A : i32
    %add3A = arith.addi %mul3A_0, %arg0 : i32
    %scan3A = arith.constant 0 : i32
    %scan3A_1 = arith.constant 0 : i32
    %scan3A_2 = arith.constant 64 : i32
    %scan3A_3 = arith.addi %scan3A_1, %scan3A_2 : i32
    %scan3A_4 = arith.constant 1 : i32
    %scan3A_5 = scf.for %scan3A_161 = %scan3A_1 to %scan3A_3 step %scan3A_4 iter_args(%scan3A_162 = %scan3A) -> (i32)  : i32 {
      %jit3A = arith.constant 4 : i32
      %div3A = arith.divsi %scan3A_161, %jit3A : i32
      %sign3A = arith.constant 0 : i32
      %sign3A_163 = arith.cmpi sgt, %scan3A_161, %sign3A : i32
      %sign3A_164 = arith.extui %sign3A_163 : i1 to i32
      %sign3A_165 = arith.constant 0 : i32
      %sign3A_166 = arith.cmpi slt, %scan3A_161, %sign3A_165 : i32
      %sign3A_167 = arith.extui %sign3A_166 : i1 to i32
      %sign3A_168 = arith.subi %sign3A_164, %sign3A_167 : i32
      %sign3A_169 = arith.constant 0 : i32
      %sign3A_170 = arith.cmpi sgt, %jit3A, %sign3A_169 : i32
      %sign3A_171 = arith.extui %sign3A_170 : i1 to i32
      %sign3A_172 = arith.constant 0 : i32
      %sign3A_173 = arith.cmpi slt, %jit3A, %sign3A_172 : i32
      %sign3A_174 = arith.extui %sign3A_173 : i1 to i32
      %sign3A_175 = arith.subi %sign3A_171, %sign3A_174 : i32
      %ne3A = arith.cmpi ne, %sign3A_168, %sign3A_175 : i32
      %rem3A = arith.remsi %scan3A_161, %jit3A : i32
      %ne3A_176 = arith.constant 0 : i32
      %ne3A_177 = arith.cmpi ne, %rem3A, %ne3A_176 : i32
      %and3A = arith.andi %ne3A, %ne3A_177 : i1
      %sub3A = arith.constant 1 : i32
      %sub3A_178 = arith.subi %div3A, %sub3A : i32
      %select_n3A = arith.select %and3A, %sub3A_178, %div3A : i32
      %jit3A_179 = arith.constant 4 : i32
      %eq3A_180 = arith.constant 0 : i32
      %eq3A_181 = arith.cmpi eq, %jit3A_179, %eq3A_180 : i32
      %jit3A_182 = arith.constant 1 : i32
      %select_n3A_183 = arith.select %eq3A_181, %jit3A_182, %jit3A_179 : i32
      %rem3A_184 = arith.remsi %scan3A_161, %select_n3A_183 : i32
      %ne3A_185 = arith.constant 0 : i32
      %ne3A_186 = arith.cmpi ne, %rem3A_184, %ne3A_185 : i32
      %lt3A = arith.constant 0 : i32
      %lt3A_187 = arith.cmpi slt, %rem3A_184, %lt3A : i32
      %lt3A_188 = arith.constant 0 : i32
      %lt3A_189 = arith.cmpi slt, %select_n3A_183, %lt3A_188 : i32
      %ne3A_190 = arith.xori %lt3A_187, %lt3A_189 : i1
      %and3A_191 = arith.andi %ne3A_190, %ne3A_186 : i1
      %add3A_192 = arith.addi %rem3A_184, %select_n3A_183 : i32
      %select_n3A_193 = arith.select %and3A_191, %add3A_192, %rem3A_184 : i32
      %mul3A_194 = arith.constant 32 : i32
      %mul3A_195 = arith.muli %select_n3A_193, %mul3A_194 : i32
      %broadcast_in_dim3A = arith.constant 0.000000e+00 : bf16
      %broadcast_in_dim3A_196 = vector.broadcast %broadcast_in_dim3A : bf16 to vector<32xbf16>
      %swap3A = arith.index_cast %select_n3A : i32 to index
      %swap3A_197 = arith.index_cast %mul3A_195 : i32 to index
      %swap3A_198 = tpu.vector_load %arg12[%swap3A, %swap3A_197] {strides = array<i32>} : memref<128x128xbf16, #tpu.memory_space<vmem>>, vector<32xbf16>,
      tpu.vector_store %arg12[%swap3A, %swap3A_197], %broadcast_in_dim3A_196 {strides = array<i32>} : memref<128x128xbf16, #tpu.memory_space<vmem>>, vector<32xbf16>,
      %scan3A_199 = arith.constant 0 : i32
      scf.yield %scan3A_199 : i32
    }
    %scan3A_6 = arith.constant 64 : i32
    %scan3A_7 = arith.constant 0 : i32
    %scan3A_8 = arith.constant 0 : i32
    %scan3A_9 = arith.constant 40 : i32
    %scan3A_10 = arith.addi %scan3A_8, %scan3A_9 : i32
    %scan3A_11 = arith.constant 1 : i32
    %scan3A_12 = scf.for %scan3A_161 = %scan3A_8 to %scan3A_10 step %scan3A_11 iter_args(%scan3A_162 = %scan3A_7) -> (i32)  : i32 {
      %broadcast_in_dim3A = arith.constant 0.000000e+00 : f32
      %broadcast_in_dim3A_163 = vector.broadcast %broadcast_in_dim3A : f32 to vector<16xf32>
      %mul3A_164 = arith.constant 16 : i32
      %mul3A_165 = arith.muli %scan3A_161, %mul3A_164 : i32
      %swap3A = arith.index_cast %mul3A_165 : i32 to index
      %swap3A_166 = tpu.vector_load %arg18[%swap3A] {strides = array<i32>} : memref<640xf32, #tpu.memory_space<vmem>>, vector<16xf32>,
      %swap3A_167 = vector.shape_cast %swap3A_166 : vector<16xf32> to vector<16xf32>
      %swap3A_168 = vector.shape_cast %broadcast_in_dim3A_163 : vector<16xf32> to vector<16xf32>
      tpu.vector_store %arg18[%swap3A], %swap3A_168 {strides = array<i32>} : memref<640xf32, #tpu.memory_space<vmem>>, vector<16xf32>,
      %scan3A_169 = arith.constant 0 : i32
      scf.yield %scan3A_169 : i32
    }
    %scan3A_13 = arith.constant 40 : i32
    %mul3A_14 = arith.constant 640 : i32
    %mul3A_15 = arith.muli %arg1, %mul3A_14 : i32
    %mul3A_16 = arith.constant 640 : i32
    %mul3A_17 = arith.muli %arg1, %mul3A_16 : i32
    "tpu.region"() ({
      %run_scoped3A = tpu.sem_alloc : memref<!tpu.dma_semaphore, #tpu.memory_space<semaphore_mem>>
      %dma_start3A_161 = arith.constant 0 : i32
      %dma_start3A_162 = tpu.memref_slice %arg19[%mul3A_17, %dma_start3A_161] : memref<10240x128xbf16, #tpu.memory_space<vmem_shared>> -> memref<640x128xbf16, #tpu.memory_space<vmem_shared>>
      %dma_start3A_163 = arith.constant 0 : i32
      %dma_start3A_164 = tpu.memref_slice %arg2[%mul3A_15, %dma_start3A_163] : memref<10240x128xbf16, #tpu.memory_space<hbm>> -> memref<640x128xbf16, #tpu.memory_space<hbm>>
      tpu.enqueue_dma source(%dma_start3A_164 : memref<640x128xbf16, #tpu.memory_space<hbm>>) target(%dma_start3A_162 : memref<640x128xbf16, #tpu.memory_space<vmem_shared>>) target_semaphore(%run_scoped3A : memref<!tpu.dma_semaphore, #tpu.memory_space<semaphore_mem>>)
      %dma_wait3A_165 = arith.constant 0 : i32
      %dma_wait3A_166 = tpu.memref_slice %arg19[%mul3A_17, %dma_wait3A_165] : memref<10240x128xbf16, #tpu.memory_space<vmem_shared>> -> memref<640x128xbf16, #tpu.memory_space<vmem_shared>>
      %dma_wait3A_167 = arith.constant 0 : i32
      %dma_wait3A_168 = tpu.memref_slice %arg2[%mul3A_15, %dma_wait3A_167] : memref<10240x128xbf16, #tpu.memory_space<hbm>> -> memref<640x128xbf16, #tpu.memory_space<hbm>>
      tpu.wait_dma2 semaphore(%run_scoped3A : memref<!tpu.dma_semaphore, #tpu.memory_space<semaphore_mem>>) src(%dma_wait3A_168 : memref<640x128xbf16, #tpu.memory_space<hbm>>) dst(%dma_wait3A_166 : memref<640x128xbf16, #tpu.memory_space<vmem_shared>>)
      tpu.yield
    }) : () -> ()
    %scan3A_18 = arith.constant 0 : i32
    %scan3A_19 = arith.constant 0 : i32
    %scan3A_20 = arith.constant 40 : i32
    %scan3A_21 = arith.addi %scan3A_19, %scan3A_20 : i32
    %scan3A_22 = arith.constant 1 : i32
    %scan3A_23 = scf.for %scan3A_161 = %scan3A_19 to %scan3A_21 step %scan3A_22 iter_args(%scan3A_162 = %scan3A_18) -> (i32)  : i32 {
      %mul3A_163 = arith.constant 640 : i32
      %mul3A_164 = arith.muli %arg1, %mul3A_163 : i32
      %mul3A_165 = arith.constant 16 : i32
      %mul3A_166 = arith.muli %scan3A_161, %mul3A_165 : i32
      %add3A_167 = arith.addi %mul3A_164, %mul3A_166 : i32
      "tpu.region"() ({
        %run_scoped3A = tpu.sem_alloc : memref<!tpu.dma_semaphore, #tpu.memory_space<semaphore_mem>>
        %dma_start3A_169 = arith.constant 0 : i32
        %dma_start3A_170 = arith.constant 0 : i32
        %dma_start3A_171 = tpu.memref_slice %arg12[%dma_start3A_169, %dma_start3A_170] : memref<128x128xbf16, #tpu.memory_space<vmem>> -> memref<16x128xbf16, #tpu.memory_space<vmem>>
        %dma_start3A_172 = arith.constant 0 : i32
        %dma_start3A_173 = tpu.memref_slice %arg20[%add3A_167, %dma_start3A_172] : memref<10240x128xbf16, #tpu.memory_space<vmem_shared>> -> memref<16x128xbf16, #tpu.memory_space<vmem_shared>>
        %dma_start3A_174 = arith.constant 0 : i32
        %dma_start3A_175 = tpu.memref_slice %arg20[%add3A_167, %dma_start3A_174] : memref<10240x128xbf16, #tpu.memory_space<vmem_shared>> -> memref<16x128xbf16, #tpu.memory_space<vmem_shared>>
        %dma_start3A_176 = arith.constant 0 : i32
        %dma_start3A_177 = arith.constant 0 : i32
        %dma_start3A_178 = tpu.memref_slice %arg12[%dma_start3A_176, %dma_start3A_177] : memref<128x128xbf16, #tpu.memory_space<vmem>> -> memref<16x128xbf16, #tpu.memory_space<vmem>>
        tpu.enqueue_dma source(%dma_start3A_178 : memref<16x128xbf16, #tpu.memory_space<vmem>>) target(%dma_start3A_175 : memref<16x128xbf16, #tpu.memory_space<vmem_shared>>) target_semaphore(%run_scoped3A : memref<!tpu.dma_semaphore, #tpu.memory_space<semaphore_mem>>)
        %dma_wait3A_179 = arith.constant 0 : i32
        %dma_wait3A_180 = arith.constant 0 : i32
        %dma_wait3A_181 = tpu.memref_slice %arg12[%dma_wait3A_179, %dma_wait3A_180] : memref<128x128xbf16, #tpu.memory_space<vmem>> -> memref<16x128xbf16, #tpu.memory_space<vmem>>
        %dma_wait3A_182 = arith.constant 0 : i32
        %dma_wait3A_183 = tpu.memref_slice %arg20[%add3A_167, %dma_wait3A_182] : memref<10240x128xbf16, #tpu.memory_space<vmem_shared>> -> memref<16x128xbf16, #tpu.memory_space<vmem_shared>>
        %dma_wait3A_184 = arith.constant 0 : i32
        %dma_wait3A_185 = tpu.memref_slice %arg20[%add3A_167, %dma_wait3A_184] : memref<10240x128xbf16, #tpu.memory_space<vmem_shared>> -> memref<16x128xbf16, #tpu.memory_space<vmem_shared>>
        %dma_wait3A_186 = arith.constant 0 : i32
        %dma_wait3A_187 = arith.constant 0 : i32
        %dma_wait3A_188 = tpu.memref_slice %arg12[%dma_wait3A_186, %dma_wait3A_187] : memref<128x128xbf16, #tpu.memory_space<vmem>> -> memref<16x128xbf16, #tpu.memory_space<vmem>>
        tpu.wait_dma2 semaphore(%run_scoped3A : memref<!tpu.dma_semaphore, #tpu.memory_space<semaphore_mem>>) src(%dma_wait3A_188 : memref<16x128xbf16, #tpu.memory_space<vmem>>) dst(%dma_wait3A_185 : memref<16x128xbf16, #tpu.memory_space<vmem_shared>>)
        tpu.yield
      }) : () -> ()
      %scan3A_168 = arith.constant 0 : i32
      scf.yield %scan3A_168 : i32
    }
    %scan3A_24 = arith.constant 40 : i32
    %mul3A_25 = arith.constant 640 : i32
    %mul3A_26 = arith.muli %arg1, %mul3A_25 : i32
    "tpu.region"() ({
      %run_scoped3A = tpu.sem_alloc : memref<!tpu.dma_semaphore, #tpu.memory_space<semaphore_mem>>
      %dma_start3A_161 = tpu.memref_slice %arg21[%mul3A_26] : memref<10240xf32, #tpu.memory_space<vmem_shared>> -> memref<640xf32, #tpu.memory_space<vmem_shared>>
      %dma_start3A_162 = tpu.memref_slice %arg21[%mul3A_26] : memref<10240xf32, #tpu.memory_space<vmem_shared>> -> memref<640xf32, #tpu.memory_space<vmem_shared>>
      tpu.enqueue_dma source(%arg18 : memref<640xf32, #tpu.memory_space<vmem>>) target(%dma_start3A_162 : memref<640xf32, #tpu.memory_space<vmem_shared>>) target_semaphore(%run_scoped3A : memref<!tpu.dma_semaphore, #tpu.memory_space<semaphore_mem>>)
      %dma_wait3A_163 = tpu.memref_slice %arg21[%mul3A_26] : memref<10240xf32, #tpu.memory_space<vmem_shared>> -> memref<640xf32, #tpu.memory_space<vmem_shared>>
      %dma_wait3A_164 = tpu.memref_slice %arg21[%mul3A_26] : memref<10240xf32, #tpu.memory_space<vmem_shared>> -> memref<640xf32, #tpu.memory_space<vmem_shared>>
      tpu.wait_dma2 semaphore(%run_scoped3A : memref<!tpu.dma_semaphore, #tpu.memory_space<semaphore_mem>>) src(%arg18 : memref<640xf32, #tpu.memory_space<vmem>>) dst(%dma_wait3A_164 : memref<640xf32, #tpu.memory_space<vmem_shared>>)
      tpu.yield
    }) : () -> ()
    %barrier3A = arith.constant 0 : index
    tpu.barrier barrier_id(%barrier3A)
    %mul3A_27 = arith.constant 80 : i32
    %mul3A_28 = arith.muli %add3A, %mul3A_27 : i32
    "tpu.region"() ({
      %run_scoped3A = tpu.sem_alloc : memref<!tpu.dma_semaphore, #tpu.memory_space<semaphore_mem>>
      %dma_start3A_161 = arith.constant 0 : i32
      %dma_start3A_162 = tpu.memref_slice %arg3[%mul3A_28, %dma_start3A_161] : memref<2560x128xi32, #tpu.memory_space<hbm>> -> memref<80x128xi32, #tpu.memory_space<hbm>>
      %dma_start3A_163 = arith.constant 0 : i32
      %dma_start3A_164 = tpu.memref_slice %arg3[%mul3A_28, %dma_start3A_163] : memref<2560x128xi32, #tpu.memory_space<hbm>> -> memref<80x128xi32, #tpu.memory_space<hbm>>
      tpu.enqueue_dma source(%dma_start3A_164 : memref<80x128xi32, #tpu.memory_space<hbm>>) target(%arg10 : memref<80x128xi32, #tpu.memory_space<vmem>>) target_semaphore(%run_scoped3A : memref<!tpu.dma_semaphore, #tpu.memory_space<semaphore_mem>>)
      %dma_wait3A_165 = arith.constant 0 : i32
      %dma_wait3A_166 = tpu.memref_slice %arg3[%mul3A_28, %dma_wait3A_165] : memref<2560x128xi32, #tpu.memory_space<hbm>> -> memref<80x128xi32, #tpu.memory_space<hbm>>
      %dma_wait3A_167 = arith.constant 0 : i32
      %dma_wait3A_168 = tpu.memref_slice %arg3[%mul3A_28, %dma_wait3A_167] : memref<2560x128xi32, #tpu.memory_space<hbm>> -> memref<80x128xi32, #tpu.memory_space<hbm>>
      tpu.wait_dma2 semaphore(%run_scoped3A : memref<!tpu.dma_semaphore, #tpu.memory_space<semaphore_mem>>) src(%dma_wait3A_168 : memref<80x128xi32, #tpu.memory_space<hbm>>) dst(%arg10 : memref<80x128xi32, #tpu.memory_space<vmem>>)
      tpu.yield
    }) : () -> ()
    %mul3A_29 = arith.constant 80 : i32
    %mul3A_30 = arith.muli %add3A, %mul3A_29 : i32
    "tpu.region"() ({
      %run_scoped3A = tpu.sem_alloc : memref<!tpu.dma_semaphore, #tpu.memory_space<semaphore_mem>>
      %dma_start3A_161 = arith.constant 0 : i32
      %dma_start3A_162 = tpu.memref_slice %arg4[%mul3A_30, %dma_start3A_161] : memref<2560x128xi32, #tpu.memory_space<hbm>> -> memref<80x128xi32, #tpu.memory_space<hbm>>
      %dma_start3A_163 = arith.constant 0 : i32
      %dma_start3A_164 = tpu.memref_slice %arg4[%mul3A_30, %dma_start3A_163] : memref<2560x128xi32, #tpu.memory_space<hbm>> -> memref<80x128xi32, #tpu.memory_space<hbm>>
      tpu.enqueue_dma source(%dma_start3A_164 : memref<80x128xi32, #tpu.memory_space<hbm>>) target(%arg11 : memref<80x128xi32, #tpu.memory_space<vmem>>) target_semaphore(%run_scoped3A : memref<!tpu.dma_semaphore, #tpu.memory_space<semaphore_mem>>)
      %dma_wait3A_165 = arith.constant 0 : i32
      %dma_wait3A_166 = tpu.memref_slice %arg4[%mul3A_30, %dma_wait3A_165] : memref<2560x128xi32, #tpu.memory_space<hbm>> -> memref<80x128xi32, #tpu.memory_space<hbm>>
      %dma_wait3A_167 = arith.constant 0 : i32
      %dma_wait3A_168 = tpu.memref_slice %arg4[%mul3A_30, %dma_wait3A_167] : memref<2560x128xi32, #tpu.memory_space<hbm>> -> memref<80x128xi32, #tpu.memory_space<hbm>>
      tpu.wait_dma2 semaphore(%run_scoped3A : memref<!tpu.dma_semaphore, #tpu.memory_space<semaphore_mem>>) src(%dma_wait3A_168 : memref<80x128xi32, #tpu.memory_space<hbm>>) dst(%arg11 : memref<80x128xi32, #tpu.memory_space<vmem>>)
      tpu.yield
    }) : () -> ()
    %dma_start3A = arith.constant 0 : i32
    %dma_start3A_31 = arith.constant 0 : i32
    %dma_start3A_32 = tpu.memref_slice %arg10[%dma_start3A, %dma_start3A_31] : memref<80x128xi32, #tpu.memory_space<vmem>> -> memref<1x128xi32, #tpu.memory_space<vmem>>
    %dma_start3A_33 = tpu.memref_squeeze %dma_start3A_32 : memref<1x128xi32, #tpu.memory_space<vmem>> -> memref<128xi32, #tpu.memory_space<vmem>>
    %dma_start3A_34 = arith.constant 0 : i32
    %dma_start3A_35 = arith.constant 0 : i32
    %dma_start3A_36 = tpu.memref_slice %arg19[%dma_start3A_34, %dma_start3A_35] : memref<10240x128xbf16, #tpu.memory_space<vmem_shared>> -> memref<10240x128xbf16, #tpu.memory_space<vmem_shared>>
    tpu.enqueue_indirect_dma source(%dma_start3A_36 : memref<10240x128xbf16, #tpu.memory_space<vmem_shared>>) target(%arg12 : memref<128x128xbf16, #tpu.memory_space<vmem>>) offsets(%dma_start3A_33 : memref<128xi32, #tpu.memory_space<vmem>>) semaphore(%arg22 : memref<!tpu.dma_semaphore, #tpu.memory_space<semaphore_mem>>)
    %dma_start3A_37 = arith.constant 0 : i32
    %dma_start3A_38 = arith.constant 0 : i32
    %dma_start3A_39 = tpu.memref_slice %arg11[%dma_start3A_37, %dma_start3A_38] : memref<80x128xi32, #tpu.memory_space<vmem>> -> memref<1x128xi32, #tpu.memory_space<vmem>>
    %dma_start3A_40 = tpu.memref_squeeze %dma_start3A_39 : memref<1x128xi32, #tpu.memory_space<vmem>> -> memref<128xi32, #tpu.memory_space<vmem>>
    %dma_start3A_41 = arith.constant 0 : i32
    %dma_start3A_42 = tpu.memref_slice %arg5[%dma_start3A_41] : memref<10240xf32, #tpu.memory_space<hbm>> -> memref<10240xf32, #tpu.memory_space<hbm>>
    tpu.enqueue_indirect_dma source(%dma_start3A_42 : memref<10240xf32, #tpu.memory_space<hbm>>) target(%arg15 : memref<128xf32, #tpu.memory_space<vmem>>) offsets(%dma_start3A_40 : memref<128xi32, #tpu.memory_space<vmem>>) semaphore(%arg25 : memref<!tpu.dma_semaphore, #tpu.memory_space<semaphore_mem>>)
    %dma_start3A_43 = arith.constant 1 : i32
    %dma_start3A_44 = arith.constant 0 : i32
    %dma_start3A_45 = tpu.memref_slice %arg10[%dma_start3A_43, %dma_start3A_44] : memref<80x128xi32, #tpu.memory_space<vmem>> -> memref<1x128xi32, #tpu.memory_space<vmem>>
    %dma_start3A_46 = tpu.memref_squeeze %dma_start3A_45 : memref<1x128xi32, #tpu.memory_space<vmem>> -> memref<128xi32, #tpu.memory_space<vmem>>
    %dma_start3A_47 = arith.constant 0 : i32
    %dma_start3A_48 = arith.constant 0 : i32
    %dma_start3A_49 = tpu.memref_slice %arg19[%dma_start3A_47, %dma_start3A_48] : memref<10240x128xbf16, #tpu.memory_space<vmem_shared>> -> memref<10240x128xbf16, #tpu.memory_space<vmem_shared>>
    tpu.enqueue_indirect_dma source(%dma_start3A_49 : memref<10240x128xbf16, #tpu.memory_space<vmem_shared>>) target(%arg13 : memref<128x128xbf16, #tpu.memory_space<vmem>>) offsets(%dma_start3A_46 : memref<128xi32, #tpu.memory_space<vmem>>) semaphore(%arg23 : memref<!tpu.dma_semaphore, #tpu.memory_space<semaphore_mem>>)
    %dma_start3A_50 = arith.constant 1 : i32
    %dma_start3A_51 = arith.constant 0 : i32
    %dma_start3A_52 = tpu.memref_slice %arg11[%dma_start3A_50, %dma_start3A_51] : memref<80x128xi32, #tpu.memory_space<vmem>> -> memref<1x128xi32, #tpu.memory_space<vmem>>
    %dma_start3A_53 = tpu.memref_squeeze %dma_start3A_52 : memref<1x128xi32, #tpu.memory_space<vmem>> -> memref<128xi32, #tpu.memory_space<vmem>>
    %dma_start3A_54 = arith.constant 0 : i32
    %dma_start3A_55 = tpu.memref_slice %arg5[%dma_start3A_54] : memref<10240xf32, #tpu.memory_space<hbm>> -> memref<10240xf32, #tpu.memory_space<hbm>>
    tpu.enqueue_indirect_dma source(%dma_start3A_55 : memref<10240xf32, #tpu.memory_space<hbm>>) target(%arg16 : memref<128xf32, #tpu.memory_space<vmem>>) offsets(%dma_start3A_53 : memref<128xi32, #tpu.memory_space<vmem>>) semaphore(%arg26 : memref<!tpu.dma_semaphore, #tpu.memory_space<semaphore_mem>>)
    %scan3A_56 = arith.constant 0 : i32
    %scan3A_57 = arith.constant 0 : i32
    %scan3A_58 = arith.constant 26 : i32
    %scan3A_59 = arith.addi %scan3A_57, %scan3A_58 : i32
    %scan3A_60 = arith.constant 1 : i32
    %scan3A_61 = scf.for %scan3A_161 = %scan3A_57 to %scan3A_59 step %scan3A_60 iter_args(%scan3A_162 = %scan3A_56) -> (i32)  : i32 {
      %mul3A_163 = arith.constant 3 : i32
      %mul3A_164 = arith.muli %mul3A_163, %scan3A_161 : i32
      %gt3A = arith.constant 0 : i32
      %gt3A_165 = arith.cmpi sgt, %scan3A_161, %gt3A : i32
      %add3A_166 = arith.constant 2 : i32
      %add3A_167 = arith.addi %mul3A_164, %add3A_166 : i32
      %convert_element_type3A_168 = arith.extui %gt3A_165 : i1 to i32
      %cond3A_169 = arith.constant 0 : i32
      %cond3A_170 = arith.cmpi ne, %convert_element_type3A_168, %cond3A_169 : i32
      scf.if %cond3A_170 {
        %sub3A_312 = arith.constant 1 : i32
        %sub3A_313 = arith.subi %mul3A_164, %sub3A_312 : i32
        %dma_wait3A_314 = arith.constant 0 : i32
        %dma_wait3A_315 = tpu.memref_slice %arg11[%sub3A_313, %dma_wait3A_314] : memref<80x128xi32, #tpu.memory_space<vmem>> -> memref<1x128xi32, #tpu.memory_space<vmem>>
        %dma_wait3A_316 = tpu.memref_squeeze %dma_wait3A_315 : memref<1x128xi32, #tpu.memory_space<vmem>> -> memref<128xi32, #tpu.memory_space<vmem>>
        %dma_wait3A_317 = arith.constant 0 : i32
        %dma_wait3A_318 = arith.constant 0 : i32
        %dma_wait3A_319 = tpu.memref_slice %arg20[%dma_wait3A_317, %dma_wait3A_318] : memref<10240x128xbf16, #tpu.memory_space<vmem_shared>> -> memref<10240x128xbf16, #tpu.memory_space<vmem_shared>>
        tpu.wait_indirect_dma semaphore(%arg30 : memref<!tpu.dma_semaphore, #tpu.memory_space<semaphore_mem>>) src(%arg14 : memref<128x128xbf16, #tpu.memory_space<vmem>>) dst(%dma_wait3A_319 : memref<10240x128xbf16, #tpu.memory_space<vmem_shared>>)
        %sub3A_320 = arith.constant 1 : i32
        %sub3A_321 = arith.subi %mul3A_164, %sub3A_320 : i32
        %dma_wait3A_322 = arith.constant 0 : i32
        %dma_wait3A_323 = tpu.memref_slice %arg10[%sub3A_321, %dma_wait3A_322] : memref<80x128xi32, #tpu.memory_space<vmem>> -> memref<1x128xi32, #tpu.memory_space<vmem>>
        %dma_wait3A_324 = tpu.memref_squeeze %dma_wait3A_323 : memref<1x128xi32, #tpu.memory_space<vmem>> -> memref<128xi32, #tpu.memory_space<vmem>>
        %dma_wait3A_325 = arith.constant 0 : i32
        %dma_wait3A_326 = tpu.memref_slice %arg21[%dma_wait3A_325] : memref<10240xf32, #tpu.memory_space<vmem_shared>> -> memref<10240xf32, #tpu.memory_space<vmem_shared>>
        tpu.wait_indirect_dma semaphore(%arg33 : memref<!tpu.dma_semaphore, #tpu.memory_space<semaphore_mem>>) src(%arg17 : memref<128xf32, #tpu.memory_space<vmem>>) dst(%dma_wait3A_326 : memref<10240xf32, #tpu.memory_space<vmem_shared>>)
      } else {
      }
      %dma_start3A_171 = arith.constant 0 : i32
      %dma_start3A_172 = tpu.memref_slice %arg10[%add3A_167, %dma_start3A_171] : memref<80x128xi32, #tpu.memory_space<vmem>> -> memref<1x128xi32, #tpu.memory_space<vmem>>
      %dma_start3A_173 = tpu.memref_squeeze %dma_start3A_172 : memref<1x128xi32, #tpu.memory_space<vmem>> -> memref<128xi32, #tpu.memory_space<vmem>>
      %dma_start3A_174 = arith.constant 0 : i32
      %dma_start3A_175 = arith.constant 0 : i32
      %dma_start3A_176 = tpu.memref_slice %arg19[%dma_start3A_174, %dma_start3A_175] : memref<10240x128xbf16, #tpu.memory_space<vmem_shared>> -> memref<10240x128xbf16, #tpu.memory_space<vmem_shared>>
      tpu.enqueue_indirect_dma source(%dma_start3A_176 : memref<10240x128xbf16, #tpu.memory_space<vmem_shared>>) target(%arg14 : memref<128x128xbf16, #tpu.memory_space<vmem>>) offsets(%dma_start3A_173 : memref<128xi32, #tpu.memory_space<vmem>>) semaphore(%arg24 : memref<!tpu.dma_semaphore, #tpu.memory_space<semaphore_mem>>)
      %dma_start3A_177 = arith.constant 0 : i32
      %dma_start3A_178 = tpu.memref_slice %arg11[%add3A_167, %dma_start3A_177] : memref<80x128xi32, #tpu.memory_space<vmem>> -> memref<1x128xi32, #tpu.memory_space<vmem>>
      %dma_start3A_179 = tpu.memref_squeeze %dma_start3A_178 : memref<1x128xi32, #tpu.memory_space<vmem>> -> memref<128xi32, #tpu.memory_space<vmem>>
      %dma_start3A_180 = arith.constant 0 : i32
      %dma_start3A_181 = tpu.memref_slice %arg5[%dma_start3A_180] : memref<10240xf32, #tpu.memory_space<hbm>> -> memref<10240xf32, #tpu.memory_space<hbm>>
      tpu.enqueue_indirect_dma source(%dma_start3A_181 : memref<10240xf32, #tpu.memory_space<hbm>>) target(%arg17 : memref<128xf32, #tpu.memory_space<vmem>>) offsets(%dma_start3A_179 : memref<128xi32, #tpu.memory_space<vmem>>) semaphore(%arg27 : memref<!tpu.dma_semaphore, #tpu.memory_space<semaphore_mem>>)
      %dma_wait3A_182 = arith.constant 0 : i32
      %dma_wait3A_183 = tpu.memref_slice %arg10[%mul3A_164, %dma_wait3A_182] : memref<80x128xi32, #tpu.memory_space<vmem>> -> memref<1x128xi32, #tpu.memory_space<vmem>>
      %dma_wait3A_184 = tpu.memref_squeeze %dma_wait3A_183 : memref<1x128xi32, #tpu.memory_space<vmem>> -> memref<128xi32, #tpu.memory_space<vmem>>
      %dma_wait3A_185 = arith.constant 0 : i32
      %dma_wait3A_186 = arith.constant 0 : i32
      %dma_wait3A_187 = tpu.memref_slice %arg19[%dma_wait3A_185, %dma_wait3A_186] : memref<10240x128xbf16, #tpu.memory_space<vmem_shared>> -> memref<10240x128xbf16, #tpu.memory_space<vmem_shared>>
      tpu.wait_indirect_dma semaphore(%arg22 : memref<!tpu.dma_semaphore, #tpu.memory_space<semaphore_mem>>) src(%dma_wait3A_187 : memref<10240x128xbf16, #tpu.memory_space<vmem_shared>>) dst(%arg12 : memref<128x128xbf16, #tpu.memory_space<vmem>>)
      %dma_wait3A_188 = arith.constant 0 : i32
      %dma_wait3A_189 = tpu.memref_slice %arg11[%mul3A_164, %dma_wait3A_188] : memref<80x128xi32, #tpu.memory_space<vmem>> -> memref<1x128xi32, #tpu.memory_space<vmem>>
      %dma_wait3A_190 = tpu.memref_squeeze %dma_wait3A_189 : memref<1x128xi32, #tpu.memory_space<vmem>> -> memref<128xi32, #tpu.memory_space<vmem>>
      %dma_wait3A_191 = arith.constant 0 : i32
      %dma_wait3A_192 = tpu.memref_slice %arg5[%dma_wait3A_191] : memref<10240xf32, #tpu.memory_space<hbm>> -> memref<10240xf32, #tpu.memory_space<hbm>>
      tpu.wait_indirect_dma semaphore(%arg25 : memref<!tpu.dma_semaphore, #tpu.memory_space<semaphore_mem>>) src(%dma_wait3A_192 : memref<10240xf32, #tpu.memory_space<hbm>>) dst(%arg15 : memref<128xf32, #tpu.memory_space<vmem>>)
      %dma_start3A_193 = arith.constant 0 : i32
      %dma_start3A_194 = tpu.memref_slice %arg11[%mul3A_164, %dma_start3A_193] : memref<80x128xi32, #tpu.memory_space<vmem>> -> memref<1x128xi32, #tpu.memory_space<vmem>>
      %dma_start3A_195 = tpu.memref_squeeze %dma_start3A_194 : memref<1x128xi32, #tpu.memory_space<vmem>> -> memref<128xi32, #tpu.memory_space<vmem>>
      %dma_start3A_196 = arith.constant 0 : i32
      %dma_start3A_197 = arith.constant 0 : i32
      %dma_start3A_198 = tpu.memref_slice %arg20[%dma_start3A_196, %dma_start3A_197] : memref<10240x128xbf16, #tpu.memory_space<vmem_shared>> -> memref<10240x128xbf16, #tpu.memory_space<vmem_shared>>
      tpu.enqueue_indirect_dma source(%arg12 : memref<128x128xbf16, #tpu.memory_space<vmem>>) target(%dma_start3A_198 : memref<10240x128xbf16, #tpu.memory_space<vmem_shared>>) offsets(%dma_start3A_195 : memref<128xi32, #tpu.memory_space<vmem>>) semaphore(%arg28 : memref<!tpu.dma_semaphore, #tpu.memory_space<semaphore_mem>>) {add = true}
      %dma_start3A_199 = arith.constant 0 : i32
      %dma_start3A_200 = tpu.memref_slice %arg10[%mul3A_164, %dma_start3A_199] : memref<80x128xi32, #tpu.memory_space<vmem>> -> memref<1x128xi32, #tpu.memory_space<vmem>>
      %dma_start3A_201 = tpu.memref_squeeze %dma_start3A_200 : memref<1x128xi32, #tpu.memory_space<vmem>> -> memref<128xi32, #tpu.memory_space<vmem>>
      %dma_start3A_202 = arith.constant 0 : i32
      %dma_start3A_203 = tpu.memref_slice %arg21[%dma_start3A_202] : memref<10240xf32, #tpu.memory_space<vmem_shared>> -> memref<10240xf32, #tpu.memory_space<vmem_shared>>
      tpu.enqueue_indirect_dma source(%arg15 : memref<128xf32, #tpu.memory_space<vmem>>) target(%dma_start3A_203 : memref<10240xf32, #tpu.memory_space<vmem_shared>>) offsets(%dma_start3A_201 : memref<128xi32, #tpu.memory_space<vmem>>) semaphore(%arg31 : memref<!tpu.dma_semaphore, #tpu.memory_space<semaphore_mem>>) {add = true}
      %mul3A_204 = arith.constant 3 : i32
      %mul3A_205 = arith.muli %mul3A_204, %scan3A_161 : i32
      %add3A_206 = arith.constant 1 : i32
      %add3A_207 = arith.addi %mul3A_205, %add3A_206 : i32
      %add3A_208 = arith.constant 2 : i32
      %add3A_209 = arith.addi %add3A_207, %add3A_208 : i32
      %sub3A = arith.constant 1 : i32
      %sub3A_210 = arith.subi %add3A_207, %sub3A : i32
      %dma_wait3A_211 = arith.constant 0 : i32
      %dma_wait3A_212 = tpu.memref_slice %arg11[%sub3A_210, %dma_wait3A_211] : memref<80x128xi32, #tpu.memory_space<vmem>> -> memref<1x128xi32, #tpu.memory_space<vmem>>
      %dma_wait3A_213 = tpu.memref_squeeze %dma_wait3A_212 : memref<1x128xi32, #tpu.memory_space<vmem>> -> memref<128xi32, #tpu.memory_space<vmem>>
      %dma_wait3A_214 = arith.constant 0 : i32
      %dma_wait3A_215 = arith.constant 0 : i32
      %dma_wait3A_216 = tpu.memref_slice %arg20[%dma_wait3A_214, %dma_wait3A_215] : memref<10240x128xbf16, #tpu.memory_space<vmem_shared>> -> memref<10240x128xbf16, #tpu.memory_space<vmem_shared>>
      tpu.wait_indirect_dma semaphore(%arg28 : memref<!tpu.dma_semaphore, #tpu.memory_space<semaphore_mem>>) src(%arg12 : memref<128x128xbf16, #tpu.memory_space<vmem>>) dst(%dma_wait3A_216 : memref<10240x128xbf16, #tpu.memory_space<vmem_shared>>)
      %sub3A_217 = arith.constant 1 : i32
      %sub3A_218 = arith.subi %add3A_207, %sub3A_217 : i32
      %dma_wait3A_219 = arith.constant 0 : i32
      %dma_wait3A_220 = tpu.memref_slice %arg10[%sub3A_218, %dma_wait3A_219] : memref<80x128xi32, #tpu.memory_space<vmem>> -> memref<1x128xi32, #tpu.memory_space<vmem>>
      %dma_wait3A_221 = tpu.memref_squeeze %dma_wait3A_220 : memref<1x128xi32, #tpu.memory_space<vmem>> -> memref<128xi32, #tpu.memory_space<vmem>>
      %dma_wait3A_222 = arith.constant 0 : i32
      %dma_wait3A_223 = tpu.memref_slice %arg21[%dma_wait3A_222] : memref<10240xf32, #tpu.memory_space<vmem_shared>> -> memref<10240xf32, #tpu.memory_space<vmem_shared>>
      tpu.wait_indirect_dma semaphore(%arg31 : memref<!tpu.dma_semaphore, #tpu.memory_space<semaphore_mem>>) src(%arg15 : memref<128xf32, #tpu.memory_space<vmem>>) dst(%dma_wait3A_223 : memref<10240xf32, #tpu.memory_space<vmem_shared>>)
      %dma_start3A_224 = arith.constant 0 : i32
      %dma_start3A_225 = tpu.memref_slice %arg10[%add3A_209, %dma_start3A_224] : memref<80x128xi32, #tpu.memory_space<vmem>> -> memref<1x128xi32, #tpu.memory_space<vmem>>
      %dma_start3A_226 = tpu.memref_squeeze %dma_start3A_225 : memref<1x128xi32, #tpu.memory_space<vmem>> -> memref<128xi32, #tpu.memory_space<vmem>>
      %dma_start3A_227 = arith.constant 0 : i32
      %dma_start3A_228 = arith.constant 0 : i32
      %dma_start3A_229 = tpu.memref_slice %arg19[%dma_start3A_227, %dma_start3A_228] : memref<10240x128xbf16, #tpu.memory_space<vmem_shared>> -> memref<10240x128xbf16, #tpu.memory_space<vmem_shared>>
      tpu.enqueue_indirect_dma source(%dma_start3A_229 : memref<10240x128xbf16, #tpu.memory_space<vmem_shared>>) target(%arg12 : memref<128x128xbf16, #tpu.memory_space<vmem>>) offsets(%dma_start3A_226 : memref<128xi32, #tpu.memory_space<vmem>>) semaphore(%arg22 : memref<!tpu.dma_semaphore, #tpu.memory_space<semaphore_mem>>)
      %dma_start3A_230 = arith.constant 0 : i32
      %dma_start3A_231 = tpu.memref_slice %arg11[%add3A_209, %dma_start3A_230] : memref<80x128xi32, #tpu.memory_space<vmem>> -> memref<1x128xi32, #tpu.memory_space<vmem>>
      %dma_start3A_232 = tpu.memref_squeeze %dma_start3A_231 : memref<1x128xi32, #tpu.memory_space<vmem>> -> memref<128xi32, #tpu.memory_space<vmem>>
      %dma_start3A_233 = arith.constant 0 : i32
      %dma_start3A_234 = tpu.memref_slice %arg5[%dma_start3A_233] : memref<10240xf32, #tpu.memory_space<hbm>> -> memref<10240xf32, #tpu.memory_space<hbm>>
      tpu.enqueue_indirect_dma source(%dma_start3A_234 : memref<10240xf32, #tpu.memory_space<hbm>>) target(%arg15 : memref<128xf32, #tpu.memory_space<vmem>>) offsets(%dma_start3A_232 : memref<128xi32, #tpu.memory_space<vmem>>) semaphore(%arg25 : memref<!tpu.dma_semaphore, #tpu.memory_space<semaphore_mem>>)
      %dma_wait3A_235 = arith.constant 0 : i32
      %dma_wait3A_236 = tpu.memref_slice %arg10[%add3A_207, %dma_wait3A_235] : memref<80x128xi32, #tpu.memory_space<vmem>> -> memref<1x128xi32, #tpu.memory_space<vmem>>
      %dma_wait3A_237 = tpu.memref_squeeze %dma_wait3A_236 : memref<1x128xi32, #tpu.memory_space<vmem>> -> memref<128xi32, #tpu.memory_space<vmem>>
      %dma_wait3A_238 = arith.constant 0 : i32
      %dma_wait3A_239 = arith.constant 0 : i32
      %dma_wait3A_240 = tpu.memref_slice %arg19[%dma_wait3A_238, %dma_wait3A_239] : memref<10240x128xbf16, #tpu.memory_space<vmem_shared>> -> memref<10240x128xbf16, #tpu.memory_space<vmem_shared>>
      tpu.wait_indirect_dma semaphore(%arg23 : memref<!tpu.dma_semaphore, #tpu.memory_space<semaphore_mem>>) src(%dma_wait3A_240 : memref<10240x128xbf16, #tpu.memory_space<vmem_shared>>) dst(%arg13 : memref<128x128xbf16, #tpu.memory_space<vmem>>)
      %dma_wait3A_241 = arith.constant 0 : i32
      %dma_wait3A_242 = tpu.memref_slice %arg11[%add3A_207, %dma_wait3A_241] : memref<80x128xi32, #tpu.memory_space<vmem>> -> memref<1x128xi32, #tpu.memory_space<vmem>>
      %dma_wait3A_243 = tpu.memref_squeeze %dma_wait3A_242 : memref<1x128xi32, #tpu.memory_space<vmem>> -> memref<128xi32, #tpu.memory_space<vmem>>
      %dma_wait3A_244 = arith.constant 0 : i32
      %dma_wait3A_245 = tpu.memref_slice %arg5[%dma_wait3A_244] : memref<10240xf32, #tpu.memory_space<hbm>> -> memref<10240xf32, #tpu.memory_space<hbm>>
      tpu.wait_indirect_dma semaphore(%arg26 : memref<!tpu.dma_semaphore, #tpu.memory_space<semaphore_mem>>) src(%dma_wait3A_245 : memref<10240xf32, #tpu.memory_space<hbm>>) dst(%arg16 : memref<128xf32, #tpu.memory_space<vmem>>)
      %dma_start3A_246 = arith.constant 0 : i32
      %dma_start3A_247 = tpu.memref_slice %arg11[%add3A_207, %dma_start3A_246] : memref<80x128xi32, #tpu.memory_space<vmem>> -> memref<1x128xi32, #tpu.memory_space<vmem>>
      %dma_start3A_248 = tpu.memref_squeeze %dma_start3A_247 : memref<1x128xi32, #tpu.memory_space<vmem>> -> memref<128xi32, #tpu.memory_space<vmem>>
      %dma_start3A_249 = arith.constant 0 : i32
      %dma_start3A_250 = arith.constant 0 : i32
      %dma_start3A_251 = tpu.memref_slice %arg20[%dma_start3A_249, %dma_start3A_250] : memref<10240x128xbf16, #tpu.memory_space<vmem_shared>> -> memref<10240x128xbf16, #tpu.memory_space<vmem_shared>>
      tpu.enqueue_indirect_dma source(%arg13 : memref<128x128xbf16, #tpu.memory_space<vmem>>) target(%dma_start3A_251 : memref<10240x128xbf16, #tpu.memory_space<vmem_shared>>) offsets(%dma_start3A_248 : memref<128xi32, #tpu.memory_space<vmem>>) semaphore(%arg29 : memref<!tpu.dma_semaphore, #tpu.memory_space<semaphore_mem>>) {add = true}
      %dma_start3A_252 = arith.constant 0 : i32
      %dma_start3A_253 = tpu.memref_slice %arg10[%add3A_207, %dma_start3A_252] : memref<80x128xi32, #tpu.memory_space<vmem>> -> memref<1x128xi32, #tpu.memory_space<vmem>>
      %dma_start3A_254 = tpu.memref_squeeze %dma_start3A_253 : memref<1x128xi32, #tpu.memory_space<vmem>> -> memref<128xi32, #tpu.memory_space<vmem>>
      %dma_start3A_255 = arith.constant 0 : i32
      %dma_start3A_256 = tpu.memref_slice %arg21[%dma_start3A_255] : memref<10240xf32, #tpu.memory_space<vmem_shared>> -> memref<10240xf32, #tpu.memory_space<vmem_shared>>
      tpu.enqueue_indirect_dma source(%arg16 : memref<128xf32, #tpu.memory_space<vmem>>) target(%dma_start3A_256 : memref<10240xf32, #tpu.memory_space<vmem_shared>>) offsets(%dma_start3A_254 : memref<128xi32, #tpu.memory_space<vmem>>) semaphore(%arg32 : memref<!tpu.dma_semaphore, #tpu.memory_space<semaphore_mem>>) {add = true}
      %mul3A_257 = arith.constant 3 : i32
      %mul3A_258 = arith.muli %mul3A_257, %scan3A_161 : i32
      %add3A_259 = arith.constant 2 : i32
      %add3A_260 = arith.addi %mul3A_258, %add3A_259 : i32
      %add3A_261 = arith.constant 2 : i32
      %add3A_262 = arith.addi %add3A_260, %add3A_261 : i32
      %sub3A_263 = arith.constant 1 : i32
      %sub3A_264 = arith.subi %add3A_260, %sub3A_263 : i32
      %dma_wait3A_265 = arith.constant 0 : i32
      %dma_wait3A_266 = tpu.memref_slice %arg11[%sub3A_264, %dma_wait3A_265] : memref<80x128xi32, #tpu.memory_space<vmem>> -> memref<1x128xi32, #tpu.memory_space<vmem>>
      %dma_wait3A_267 = tpu.memref_squeeze %dma_wait3A_266 : memref<1x128xi32, #tpu.memory_space<vmem>> -> memref<128xi32, #tpu.memory_space<vmem>>
      %dma_wait3A_268 = arith.constant 0 : i32
      %dma_wait3A_269 = arith.constant 0 : i32
      %dma_wait3A_270 = tpu.memref_slice %arg20[%dma_wait3A_268, %dma_wait3A_269] : memref<10240x128xbf16, #tpu.memory_space<vmem_shared>> -> memref<10240x128xbf16, #tpu.memory_space<vmem_shared>>
      tpu.wait_indirect_dma semaphore(%arg29 : memref<!tpu.dma_semaphore, #tpu.memory_space<semaphore_mem>>) src(%arg13 : memref<128x128xbf16, #tpu.memory_space<vmem>>) dst(%dma_wait3A_270 : memref<10240x128xbf16, #tpu.memory_space<vmem_shared>>)
      %sub3A_271 = arith.constant 1 : i32
      %sub3A_272 = arith.subi %add3A_260, %sub3A_271 : i32
      %dma_wait3A_273 = arith.constant 0 : i32
      %dma_wait3A_274 = tpu.memref_slice %arg10[%sub3A_272, %dma_wait3A_273] : memref<80x128xi32, #tpu.memory_space<vmem>> -> memref<1x128xi32, #tpu.memory_space<vmem>>
      %dma_wait3A_275 = tpu.memref_squeeze %dma_wait3A_274 : memref<1x128xi32, #tpu.memory_space<vmem>> -> memref<128xi32, #tpu.memory_space<vmem>>
      %dma_wait3A_276 = arith.constant 0 : i32
      %dma_wait3A_277 = tpu.memref_slice %arg21[%dma_wait3A_276] : memref<10240xf32, #tpu.memory_space<vmem_shared>> -> memref<10240xf32, #tpu.memory_space<vmem_shared>>
      tpu.wait_indirect_dma semaphore(%arg32 : memref<!tpu.dma_semaphore, #tpu.memory_space<semaphore_mem>>) src(%arg16 : memref<128xf32, #tpu.memory_space<vmem>>) dst(%dma_wait3A_277 : memref<10240xf32, #tpu.memory_space<vmem_shared>>)
      %dma_start3A_278 = arith.constant 0 : i32
      %dma_start3A_279 = tpu.memref_slice %arg10[%add3A_262, %dma_start3A_278] : memref<80x128xi32, #tpu.memory_space<vmem>> -> memref<1x128xi32, #tpu.memory_space<vmem>>
      %dma_start3A_280 = tpu.memref_squeeze %dma_start3A_279 : memref<1x128xi32, #tpu.memory_space<vmem>> -> memref<128xi32, #tpu.memory_space<vmem>>
      %dma_start3A_281 = arith.constant 0 : i32
      %dma_start3A_282 = arith.constant 0 : i32
      %dma_start3A_283 = tpu.memref_slice %arg19[%dma_start3A_281, %dma_start3A_282] : memref<10240x128xbf16, #tpu.memory_space<vmem_shared>> -> memref<10240x128xbf16, #tpu.memory_space<vmem_shared>>
      tpu.enqueue_indirect_dma source(%dma_start3A_283 : memref<10240x128xbf16, #tpu.memory_space<vmem_shared>>) target(%arg13 : memref<128x128xbf16, #tpu.memory_space<vmem>>) offsets(%dma_start3A_280 : memref<128xi32, #tpu.memory_space<vmem>>) semaphore(%arg23 : memref<!tpu.dma_semaphore, #tpu.memory_space<semaphore_mem>>)
      %dma_start3A_284 = arith.constant 0 : i32
      %dma_start3A_285 = tpu.memref_slice %arg11[%add3A_262, %dma_start3A_284] : memref<80x128xi32, #tpu.memory_space<vmem>> -> memref<1x128xi32, #tpu.memory_space<vmem>>
      %dma_start3A_286 = tpu.memref_squeeze %dma_start3A_285 : memref<1x128xi32, #tpu.memory_space<vmem>> -> memref<128xi32, #tpu.memory_space<vmem>>
      %dma_start3A_287 = arith.constant 0 : i32
      %dma_start3A_288 = tpu.memref_slice %arg5[%dma_start3A_287] : memref<10240xf32, #tpu.memory_space<hbm>> -> memref<10240xf32, #tpu.memory_space<hbm>>
      tpu.enqueue_indirect_dma source(%dma_start3A_288 : memref<10240xf32, #tpu.memory_space<hbm>>) target(%arg16 : memref<128xf32, #tpu.memory_space<vmem>>) offsets(%dma_start3A_286 : memref<128xi32, #tpu.memory_space<vmem>>) semaphore(%arg26 : memref<!tpu.dma_semaphore, #tpu.memory_space<semaphore_mem>>)
      %dma_wait3A_289 = arith.constant 0 : i32
      %dma_wait3A_290 = tpu.memref_slice %arg10[%add3A_260, %dma_wait3A_289] : memref<80x128xi32, #tpu.memory_space<vmem>> -> memref<1x128xi32, #tpu.memory_space<vmem>>
      %dma_wait3A_291 = tpu.memref_squeeze %dma_wait3A_290 : memref<1x128xi32, #tpu.memory_space<vmem>> -> memref<128xi32, #tpu.memory_space<vmem>>
      %dma_wait3A_292 = arith.constant 0 : i32
      %dma_wait3A_293 = arith.constant 0 : i32
      %dma_wait3A_294 = tpu.memref_slice %arg19[%dma_wait3A_292, %dma_wait3A_293] : memref<10240x128xbf16, #tpu.memory_space<vmem_shared>> -> memref<10240x128xbf16, #tpu.memory_space<vmem_shared>>
      tpu.wait_indirect_dma semaphore(%arg24 : memref<!tpu.dma_semaphore, #tpu.memory_space<semaphore_mem>>) src(%dma_wait3A_294 : memref<10240x128xbf16, #tpu.memory_space<vmem_shared>>) dst(%arg14 : memref<128x128xbf16, #tpu.memory_space<vmem>>)
      %dma_wait3A_295 = arith.constant 0 : i32
      %dma_wait3A_296 = tpu.memref_slice %arg11[%add3A_260, %dma_wait3A_295] : memref<80x128xi32, #tpu.memory_space<vmem>> -> memref<1x128xi32, #tpu.memory_space<vmem>>
      %dma_wait3A_297 = tpu.memref_squeeze %dma_wait3A_296 : memref<1x128xi32, #tpu.memory_space<vmem>> -> memref<128xi32, #tpu.memory_space<vmem>>
      %dma_wait3A_298 = arith.constant 0 : i32
      %dma_wait3A_299 = tpu.memref_slice %arg5[%dma_wait3A_298] : memref<10240xf32, #tpu.memory_space<hbm>> -> memref<10240xf32, #tpu.memory_space<hbm>>
      tpu.wait_indirect_dma semaphore(%arg27 : memref<!tpu.dma_semaphore, #tpu.memory_space<semaphore_mem>>) src(%dma_wait3A_299 : memref<10240xf32, #tpu.memory_space<hbm>>) dst(%arg17 : memref<128xf32, #tpu.memory_space<vmem>>)
      %dma_start3A_300 = arith.constant 0 : i32
      %dma_start3A_301 = tpu.memref_slice %arg11[%add3A_260, %dma_start3A_300] : memref<80x128xi32, #tpu.memory_space<vmem>> -> memref<1x128xi32, #tpu.memory_space<vmem>>
      %dma_start3A_302 = tpu.memref_squeeze %dma_start3A_301 : memref<1x128xi32, #tpu.memory_space<vmem>> -> memref<128xi32, #tpu.memory_space<vmem>>
      %dma_start3A_303 = arith.constant 0 : i32
      %dma_start3A_304 = arith.constant 0 : i32
      %dma_start3A_305 = tpu.memref_slice %arg20[%dma_start3A_303, %dma_start3A_304] : memref<10240x128xbf16, #tpu.memory_space<vmem_shared>> -> memref<10240x128xbf16, #tpu.memory_space<vmem_shared>>
      tpu.enqueue_indirect_dma source(%arg14 : memref<128x128xbf16, #tpu.memory_space<vmem>>) target(%dma_start3A_305 : memref<10240x128xbf16, #tpu.memory_space<vmem_shared>>) offsets(%dma_start3A_302 : memref<128xi32, #tpu.memory_space<vmem>>) semaphore(%arg30 : memref<!tpu.dma_semaphore, #tpu.memory_space<semaphore_mem>>) {add = true}
      %dma_start3A_306 = arith.constant 0 : i32
      %dma_start3A_307 = tpu.memref_slice %arg10[%add3A_260, %dma_start3A_306] : memref<80x128xi32, #tpu.memory_space<vmem>> -> memref<1x128xi32, #tpu.memory_space<vmem>>
      %dma_start3A_308 = tpu.memref_squeeze %dma_start3A_307 : memref<1x128xi32, #tpu.memory_space<vmem>> -> memref<128xi32, #tpu.memory_space<vmem>>
      %dma_start3A_309 = arith.constant 0 : i32
      %dma_start3A_310 = tpu.memref_slice %arg21[%dma_start3A_309] : memref<10240xf32, #tpu.memory_space<vmem_shared>> -> memref<10240xf32, #tpu.memory_space<vmem_shared>>
      tpu.enqueue_indirect_dma source(%arg17 : memref<128xf32, #tpu.memory_space<vmem>>) target(%dma_start3A_310 : memref<10240xf32, #tpu.memory_space<vmem_shared>>) offsets(%dma_start3A_308 : memref<128xi32, #tpu.memory_space<vmem>>) semaphore(%arg33 : memref<!tpu.dma_semaphore, #tpu.memory_space<semaphore_mem>>) {add = true}
      %scan3A_311 = arith.constant 0 : i32
      scf.yield %scan3A_311 : i32
    }
    %scan3A_62 = arith.constant 26 : i32
    %dma_wait3A = arith.constant 78 : i32
    %dma_wait3A_63 = arith.constant 0 : i32
    %dma_wait3A_64 = tpu.memref_slice %arg10[%dma_wait3A, %dma_wait3A_63] : memref<80x128xi32, #tpu.memory_space<vmem>> -> memref<1x128xi32, #tpu.memory_space<vmem>>
    %dma_wait3A_65 = tpu.memref_squeeze %dma_wait3A_64 : memref<1x128xi32, #tpu.memory_space<vmem>> -> memref<128xi32, #tpu.memory_space<vmem>>
    %dma_wait3A_66 = arith.constant 0 : i32
    %dma_wait3A_67 = arith.constant 0 : i32
    %dma_wait3A_68 = tpu.memref_slice %arg19[%dma_wait3A_66, %dma_wait3A_67] : memref<10240x128xbf16, #tpu.memory_space<vmem_shared>> -> memref<10240x128xbf16, #tpu.memory_space<vmem_shared>>
    tpu.wait_indirect_dma semaphore(%arg22 : memref<!tpu.dma_semaphore, #tpu.memory_space<semaphore_mem>>) src(%dma_wait3A_68 : memref<10240x128xbf16, #tpu.memory_space<vmem_shared>>) dst(%arg12 : memref<128x128xbf16, #tpu.memory_space<vmem>>)
    %dma_wait3A_69 = arith.constant 78 : i32
    %dma_wait3A_70 = arith.constant 0 : i32
    %dma_wait3A_71 = tpu.memref_slice %arg11[%dma_wait3A_69, %dma_wait3A_70] : memref<80x128xi32, #tpu.memory_space<vmem>> -> memref<1x128xi32, #tpu.memory_space<vmem>>
    %dma_wait3A_72 = tpu.memref_squeeze %dma_wait3A_71 : memref<1x128xi32, #tpu.memory_space<vmem>> -> memref<128xi32, #tpu.memory_space<vmem>>
    %dma_wait3A_73 = arith.constant 0 : i32
    %dma_wait3A_74 = tpu.memref_slice %arg5[%dma_wait3A_73] : memref<10240xf32, #tpu.memory_space<hbm>> -> memref<10240xf32, #tpu.memory_space<hbm>>
    tpu.wait_indirect_dma semaphore(%arg25 : memref<!tpu.dma_semaphore, #tpu.memory_space<semaphore_mem>>) src(%dma_wait3A_74 : memref<10240xf32, #tpu.memory_space<hbm>>) dst(%arg15 : memref<128xf32, #tpu.memory_space<vmem>>)
    %dma_start3A_75 = arith.constant 78 : i32
    %dma_start3A_76 = arith.constant 0 : i32
    %dma_start3A_77 = tpu.memref_slice %arg11[%dma_start3A_75, %dma_start3A_76] : memref<80x128xi32, #tpu.memory_space<vmem>> -> memref<1x128xi32, #tpu.memory_space<vmem>>
    %dma_start3A_78 = tpu.memref_squeeze %dma_start3A_77 : memref<1x128xi32, #tpu.memory_space<vmem>> -> memref<128xi32, #tpu.memory_space<vmem>>
    %dma_start3A_79 = arith.constant 0 : i32
    %dma_start3A_80 = arith.constant 0 : i32
    %dma_start3A_81 = tpu.memref_slice %arg20[%dma_start3A_79, %dma_start3A_80] : memref<10240x128xbf16, #tpu.memory_space<vmem_shared>> -> memref<10240x128xbf16, #tpu.memory_space<vmem_shared>>
    tpu.enqueue_indirect_dma source(%arg12 : memref<128x128xbf16, #tpu.memory_space<vmem>>) target(%dma_start3A_81 : memref<10240x128xbf16, #tpu.memory_space<vmem_shared>>) offsets(%dma_start3A_78 : memref<128xi32, #tpu.memory_space<vmem>>) semaphore(%arg28 : memref<!tpu.dma_semaphore, #tpu.memory_space<semaphore_mem>>) {add = true}
    %dma_start3A_82 = arith.constant 78 : i32
    %dma_start3A_83 = arith.constant 0 : i32
    %dma_start3A_84 = tpu.memref_slice %arg10[%dma_start3A_82, %dma_start3A_83] : memref<80x128xi32, #tpu.memory_space<vmem>> -> memref<1x128xi32, #tpu.memory_space<vmem>>
    %dma_start3A_85 = tpu.memref_squeeze %dma_start3A_84 : memref<1x128xi32, #tpu.memory_space<vmem>> -> memref<128xi32, #tpu.memory_space<vmem>>
    %dma_start3A_86 = arith.constant 0 : i32
    %dma_start3A_87 = tpu.memref_slice %arg21[%dma_start3A_86] : memref<10240xf32, #tpu.memory_space<vmem_shared>> -> memref<10240xf32, #tpu.memory_space<vmem_shared>>
    tpu.enqueue_indirect_dma source(%arg15 : memref<128xf32, #tpu.memory_space<vmem>>) target(%dma_start3A_87 : memref<10240xf32, #tpu.memory_space<vmem_shared>>) offsets(%dma_start3A_85 : memref<128xi32, #tpu.memory_space<vmem>>) semaphore(%arg31 : memref<!tpu.dma_semaphore, #tpu.memory_space<semaphore_mem>>) {add = true}
    %dma_wait3A_88 = arith.constant 79 : i32
    %dma_wait3A_89 = arith.constant 0 : i32
    %dma_wait3A_90 = tpu.memref_slice %arg10[%dma_wait3A_88, %dma_wait3A_89] : memref<80x128xi32, #tpu.memory_space<vmem>> -> memref<1x128xi32, #tpu.memory_space<vmem>>
    %dma_wait3A_91 = tpu.memref_squeeze %dma_wait3A_90 : memref<1x128xi32, #tpu.memory_space<vmem>> -> memref<128xi32, #tpu.memory_space<vmem>>
    %dma_wait3A_92 = arith.constant 0 : i32
    %dma_wait3A_93 = arith.constant 0 : i32
    %dma_wait3A_94 = tpu.memref_slice %arg19[%dma_wait3A_92, %dma_wait3A_93] : memref<10240x128xbf16, #tpu.memory_space<vmem_shared>> -> memref<10240x128xbf16, #tpu.memory_space<vmem_shared>>
    tpu.wait_indirect_dma semaphore(%arg23 : memref<!tpu.dma_semaphore, #tpu.memory_space<semaphore_mem>>) src(%dma_wait3A_94 : memref<10240x128xbf16, #tpu.memory_space<vmem_shared>>) dst(%arg13 : memref<128x128xbf16, #tpu.memory_space<vmem>>)
    %dma_wait3A_95 = arith.constant 79 : i32
    %dma_wait3A_96 = arith.constant 0 : i32
    %dma_wait3A_97 = tpu.memref_slice %arg11[%dma_wait3A_95, %dma_wait3A_96] : memref<80x128xi32, #tpu.memory_space<vmem>> -> memref<1x128xi32, #tpu.memory_space<vmem>>
    %dma_wait3A_98 = tpu.memref_squeeze %dma_wait3A_97 : memref<1x128xi32, #tpu.memory_space<vmem>> -> memref<128xi32, #tpu.memory_space<vmem>>
    %dma_wait3A_99 = arith.constant 0 : i32
    %dma_wait3A_100 = tpu.memref_slice %arg5[%dma_wait3A_99] : memref<10240xf32, #tpu.memory_space<hbm>> -> memref<10240xf32, #tpu.memory_space<hbm>>
    tpu.wait_indirect_dma semaphore(%arg26 : memref<!tpu.dma_semaphore, #tpu.memory_space<semaphore_mem>>) src(%dma_wait3A_100 : memref<10240xf32, #tpu.memory_space<hbm>>) dst(%arg16 : memref<128xf32, #tpu.memory_space<vmem>>)
    %dma_start3A_101 = arith.constant 79 : i32
    %dma_start3A_102 = arith.constant 0 : i32
    %dma_start3A_103 = tpu.memref_slice %arg11[%dma_start3A_101, %dma_start3A_102] : memref<80x128xi32, #tpu.memory_space<vmem>> -> memref<1x128xi32, #tpu.memory_space<vmem>>
    %dma_start3A_104 = tpu.memref_squeeze %dma_start3A_103 : memref<1x128xi32, #tpu.memory_space<vmem>> -> memref<128xi32, #tpu.memory_space<vmem>>
    %dma_start3A_105 = arith.constant 0 : i32
    %dma_start3A_106 = arith.constant 0 : i32
    %dma_start3A_107 = tpu.memref_slice %arg20[%dma_start3A_105, %dma_start3A_106] : memref<10240x128xbf16, #tpu.memory_space<vmem_shared>> -> memref<10240x128xbf16, #tpu.memory_space<vmem_shared>>
    tpu.enqueue_indirect_dma source(%arg13 : memref<128x128xbf16, #tpu.memory_space<vmem>>) target(%dma_start3A_107 : memref<10240x128xbf16, #tpu.memory_space<vmem_shared>>) offsets(%dma_start3A_104 : memref<128xi32, #tpu.memory_space<vmem>>) semaphore(%arg29 : memref<!tpu.dma_semaphore, #tpu.memory_space<semaphore_mem>>) {add = true}
    %dma_start3A_108 = arith.constant 79 : i32
    %dma_start3A_109 = arith.constant 0 : i32
    %dma_start3A_110 = tpu.memref_slice %arg10[%dma_start3A_108, %dma_start3A_109] : memref<80x128xi32, #tpu.memory_space<vmem>> -> memref<1x128xi32, #tpu.memory_space<vmem>>
    %dma_start3A_111 = tpu.memref_squeeze %dma_start3A_110 : memref<1x128xi32, #tpu.memory_space<vmem>> -> memref<128xi32, #tpu.memory_space<vmem>>
    %dma_start3A_112 = arith.constant 0 : i32
    %dma_start3A_113 = tpu.memref_slice %arg21[%dma_start3A_112] : memref<10240xf32, #tpu.memory_space<vmem_shared>> -> memref<10240xf32, #tpu.memory_space<vmem_shared>>
    tpu.enqueue_indirect_dma source(%arg16 : memref<128xf32, #tpu.memory_space<vmem>>) target(%dma_start3A_113 : memref<10240xf32, #tpu.memory_space<vmem_shared>>) offsets(%dma_start3A_111 : memref<128xi32, #tpu.memory_space<vmem>>) semaphore(%arg32 : memref<!tpu.dma_semaphore, #tpu.memory_space<semaphore_mem>>) {add = true}
    %dma_wait3A_114 = arith.constant 79 : i32
    %dma_wait3A_115 = arith.constant 0 : i32
    %dma_wait3A_116 = tpu.memref_slice %arg11[%dma_wait3A_114, %dma_wait3A_115] : memref<80x128xi32, #tpu.memory_space<vmem>> -> memref<1x128xi32, #tpu.memory_space<vmem>>
    %dma_wait3A_117 = tpu.memref_squeeze %dma_wait3A_116 : memref<1x128xi32, #tpu.memory_space<vmem>> -> memref<128xi32, #tpu.memory_space<vmem>>
    %dma_wait3A_118 = arith.constant 0 : i32
    %dma_wait3A_119 = arith.constant 0 : i32
    %dma_wait3A_120 = tpu.memref_slice %arg20[%dma_wait3A_118, %dma_wait3A_119] : memref<10240x128xbf16, #tpu.memory_space<vmem_shared>> -> memref<10240x128xbf16, #tpu.memory_space<vmem_shared>>
    tpu.wait_indirect_dma semaphore(%arg29 : memref<!tpu.dma_semaphore, #tpu.memory_space<semaphore_mem>>) src(%arg13 : memref<128x128xbf16, #tpu.memory_space<vmem>>) dst(%dma_wait3A_120 : memref<10240x128xbf16, #tpu.memory_space<vmem_shared>>)
    %dma_wait3A_121 = arith.constant 79 : i32
    %dma_wait3A_122 = arith.constant 0 : i32
    %dma_wait3A_123 = tpu.memref_slice %arg10[%dma_wait3A_121, %dma_wait3A_122] : memref<80x128xi32, #tpu.memory_space<vmem>> -> memref<1x128xi32, #tpu.memory_space<vmem>>
    %dma_wait3A_124 = tpu.memref_squeeze %dma_wait3A_123 : memref<1x128xi32, #tpu.memory_space<vmem>> -> memref<128xi32, #tpu.memory_space<vmem>>
    %dma_wait3A_125 = arith.constant 0 : i32
    %dma_wait3A_126 = tpu.memref_slice %arg21[%dma_wait3A_125] : memref<10240xf32, #tpu.memory_space<vmem_shared>> -> memref<10240xf32, #tpu.memory_space<vmem_shared>>
    tpu.wait_indirect_dma semaphore(%arg32 : memref<!tpu.dma_semaphore, #tpu.memory_space<semaphore_mem>>) src(%arg16 : memref<128xf32, #tpu.memory_space<vmem>>) dst(%dma_wait3A_126 : memref<10240xf32, #tpu.memory_space<vmem_shared>>)
    %dma_wait3A_127 = arith.constant 78 : i32
    %dma_wait3A_128 = arith.constant 0 : i32
    %dma_wait3A_129 = tpu.memref_slice %arg11[%dma_wait3A_127, %dma_wait3A_128] : memref<80x128xi32, #tpu.memory_space<vmem>> -> memref<1x128xi32, #tpu.memory_space<vmem>>
    %dma_wait3A_130 = tpu.memref_squeeze %dma_wait3A_129 : memref<1x128xi32, #tpu.memory_space<vmem>> -> memref<128xi32, #tpu.memory_space<vmem>>
    %dma_wait3A_131 = arith.constant 0 : i32
    %dma_wait3A_132 = arith.constant 0 : i32
    %dma_wait3A_133 = tpu.memref_slice %arg20[%dma_wait3A_131, %dma_wait3A_132] : memref<10240x128xbf16, #tpu.memory_space<vmem_shared>> -> memref<10240x128xbf16, #tpu.memory_space<vmem_shared>>
    tpu.wait_indirect_dma semaphore(%arg28 : memref<!tpu.dma_semaphore, #tpu.memory_space<semaphore_mem>>) src(%arg12 : memref<128x128xbf16, #tpu.memory_space<vmem>>) dst(%dma_wait3A_133 : memref<10240x128xbf16, #tpu.memory_space<vmem_shared>>)
    %dma_wait3A_134 = arith.constant 78 : i32
    %dma_wait3A_135 = arith.constant 0 : i32
    %dma_wait3A_136 = tpu.memref_slice %arg10[%dma_wait3A_134, %dma_wait3A_135] : memref<80x128xi32, #tpu.memory_space<vmem>> -> memref<1x128xi32, #tpu.memory_space<vmem>>
    %dma_wait3A_137 = tpu.memref_squeeze %dma_wait3A_136 : memref<1x128xi32, #tpu.memory_space<vmem>> -> memref<128xi32, #tpu.memory_space<vmem>>
    %dma_wait3A_138 = arith.constant 0 : i32
    %dma_wait3A_139 = tpu.memref_slice %arg21[%dma_wait3A_138] : memref<10240xf32, #tpu.memory_space<vmem_shared>> -> memref<10240xf32, #tpu.memory_space<vmem_shared>>
    tpu.wait_indirect_dma semaphore(%arg31 : memref<!tpu.dma_semaphore, #tpu.memory_space<semaphore_mem>>) src(%arg15 : memref<128xf32, #tpu.memory_space<vmem>>) dst(%dma_wait3A_139 : memref<10240xf32, #tpu.memory_space<vmem_shared>>)
    %dma_wait3A_140 = arith.constant 77 : i32
    %dma_wait3A_141 = arith.constant 0 : i32
    %dma_wait3A_142 = tpu.memref_slice %arg11[%dma_wait3A_140, %dma_wait3A_141] : memref<80x128xi32, #tpu.memory_space<vmem>> -> memref<1x128xi32, #tpu.memory_space<vmem>>
    %dma_wait3A_143 = tpu.memref_squeeze %dma_wait3A_142 : memref<1x128xi32, #tpu.memory_space<vmem>> -> memref<128xi32, #tpu.memory_space<vmem>>
    %dma_wait3A_144 = arith.constant 0 : i32
    %dma_wait3A_145 = arith.constant 0 : i32
    %dma_wait3A_146 = tpu.memref_slice %arg20[%dma_wait3A_144, %dma_wait3A_145] : memref<10240x128xbf16, #tpu.memory_space<vmem_shared>> -> memref<10240x128xbf16, #tpu.memory_space<vmem_shared>>
    tpu.wait_indirect_dma semaphore(%arg30 : memref<!tpu.dma_semaphore, #tpu.memory_space<semaphore_mem>>) src(%arg14 : memref<128x128xbf16, #tpu.memory_space<vmem>>) dst(%dma_wait3A_146 : memref<10240x128xbf16, #tpu.memory_space<vmem_shared>>)
    %dma_wait3A_147 = arith.constant 77 : i32
    %dma_wait3A_148 = arith.constant 0 : i32
    %dma_wait3A_149 = tpu.memref_slice %arg10[%dma_wait3A_147, %dma_wait3A_148] : memref<80x128xi32, #tpu.memory_space<vmem>> -> memref<1x128xi32, #tpu.memory_space<vmem>>
    %dma_wait3A_150 = tpu.memref_squeeze %dma_wait3A_149 : memref<1x128xi32, #tpu.memory_space<vmem>> -> memref<128xi32, #tpu.memory_space<vmem>>
    %dma_wait3A_151 = arith.constant 0 : i32
    %dma_wait3A_152 = tpu.memref_slice %arg21[%dma_wait3A_151] : memref<10240xf32, #tpu.memory_space<vmem_shared>> -> memref<10240xf32, #tpu.memory_space<vmem_shared>>
    tpu.wait_indirect_dma semaphore(%arg33 : memref<!tpu.dma_semaphore, #tpu.memory_space<semaphore_mem>>) src(%arg17 : memref<128xf32, #tpu.memory_space<vmem>>) dst(%dma_wait3A_152 : memref<10240xf32, #tpu.memory_space<vmem_shared>>)
    %barrier3A_153 = arith.constant 0 : index
    tpu.barrier barrier_id(%barrier3A_153)
    %eq3A = arith.constant 0 : i32
    %eq3A_154 = arith.cmpi eq, %arg0, %eq3A : i32
    %convert_element_type3A = arith.extui %eq3A_154 : i1 to i32
    %cond3A = arith.constant 0 : i32
    %cond3A_155 = arith.cmpi ne, %convert_element_type3A, %cond3A : i32
    scf.if %cond3A_155 {
      %mul3A_161 = arith.constant 640 : i32
      %mul3A_162 = arith.muli %arg1, %mul3A_161 : i32
      %mul3A_163 = arith.constant 640 : i32
      %mul3A_164 = arith.muli %arg1, %mul3A_163 : i32
      "tpu.region"() ({
        %run_scoped3A = tpu.sem_alloc : memref<!tpu.dma_semaphore, #tpu.memory_space<semaphore_mem>>
        %dma_start3A_169 = arith.constant 0 : i32
        %dma_start3A_170 = tpu.memref_slice %arg6[%mul3A_164, %dma_start3A_169] : memref<10240x128xbf16, #tpu.memory_space<hbm>> -> memref<640x128xbf16, #tpu.memory_space<hbm>>
        %dma_start3A_171 = arith.constant 0 : i32
        %dma_start3A_172 = tpu.memref_slice %arg20[%mul3A_162, %dma_start3A_171] : memref<10240x128xbf16, #tpu.memory_space<vmem_shared>> -> memref<640x128xbf16, #tpu.memory_space<vmem_shared>>
        tpu.enqueue_dma source(%dma_start3A_172 : memref<640x128xbf16, #tpu.memory_space<vmem_shared>>) target(%dma_start3A_170 : memref<640x128xbf16, #tpu.memory_space<hbm>>) target_semaphore(%run_scoped3A : memref<!tpu.dma_semaphore, #tpu.memory_space<semaphore_mem>>)
        %dma_wait3A_173 = arith.constant 0 : i32
        %dma_wait3A_174 = tpu.memref_slice %arg6[%mul3A_164, %dma_wait3A_173] : memref<10240x128xbf16, #tpu.memory_space<hbm>> -> memref<640x128xbf16, #tpu.memory_space<hbm>>
        %dma_wait3A_175 = arith.constant 0 : i32
        %dma_wait3A_176 = tpu.memref_slice %arg20[%mul3A_162, %dma_wait3A_175] : memref<10240x128xbf16, #tpu.memory_space<vmem_shared>> -> memref<640x128xbf16, #tpu.memory_space<vmem_shared>>
        tpu.wait_dma2 semaphore(%run_scoped3A : memref<!tpu.dma_semaphore, #tpu.memory_space<semaphore_mem>>) src(%dma_wait3A_176 : memref<640x128xbf16, #tpu.memory_space<vmem_shared>>) dst(%dma_wait3A_174 : memref<640x128xbf16, #tpu.memory_space<hbm>>)
        tpu.yield
      }) : () -> ()
      %mul3A_165 = arith.constant 640 : i32
      %mul3A_166 = arith.muli %arg1, %mul3A_165 : i32
      %mul3A_167 = arith.constant 640 : i32
      %mul3A_168 = arith.muli %arg1, %mul3A_167 : i32
      "tpu.region"() ({
        %run_scoped3A = tpu.sem_alloc : memref<!tpu.dma_semaphore, #tpu.memory_space<semaphore_mem>>
        %dma_start3A_169 = tpu.memref_slice %arg8[%mul3A_168] : memref<10240xf32, #tpu.memory_space<hbm>> -> memref<640xf32, #tpu.memory_space<hbm>>
        %dma_start3A_170 = tpu.memref_slice %arg21[%mul3A_166] : memref<10240xf32, #tpu.memory_space<vmem_shared>> -> memref<640xf32, #tpu.memory_space<vmem_shared>>
        tpu.enqueue_dma source(%dma_start3A_170 : memref<640xf32, #tpu.memory_space<vmem_shared>>) target(%dma_start3A_169 : memref<640xf32, #tpu.memory_space<hbm>>) target_semaphore(%run_scoped3A : memref<!tpu.dma_semaphore, #tpu.memory_space<semaphore_mem>>)
        %dma_wait3A_171 = tpu.memref_slice %arg8[%mul3A_168] : memref<10240xf32, #tpu.memory_space<hbm>> -> memref<640xf32, #tpu.memory_space<hbm>>
        %dma_wait3A_172 = tpu.memref_slice %arg21[%mul3A_166] : memref<10240xf32, #tpu.memory_space<vmem_shared>> -> memref<640xf32, #tpu.memory_space<vmem_shared>>
        tpu.wait_dma2 semaphore(%run_scoped3A : memref<!tpu.dma_semaphore, #tpu.memory_space<semaphore_mem>>) src(%dma_wait3A_172 : memref<640xf32, #tpu.memory_space<vmem_shared>>) dst(%dma_wait3A_171 : memref<640xf32, #tpu.memory_space<hbm>>)
        tpu.yield
      }) : () -> ()
    } else {
    }
    %eq3A_156 = arith.constant 1 : i32
    %eq3A_157 = arith.cmpi eq, %arg0, %eq3A_156 : i32
    %convert_element_type3A_158 = arith.extui %eq3A_157 : i1 to i32
    %cond3A_159 = arith.constant 0 : i32
    %cond3A_160 = arith.cmpi ne, %convert_element_type3A_158, %cond3A_159 : i32
    scf.if %cond3A_160 {
      %mul3A_161 = arith.constant 640 : i32
      %mul3A_162 = arith.muli %arg1, %mul3A_161 : i32
      %mul3A_163 = arith.constant 640 : i32
      %mul3A_164 = arith.muli %arg1, %mul3A_163 : i32
      "tpu.region"() ({
        %run_scoped3A = tpu.sem_alloc : memref<!tpu.dma_semaphore, #tpu.memory_space<semaphore_mem>>
        %dma_start3A_169 = arith.constant 0 : i32
        %dma_start3A_170 = tpu.memref_slice %arg7[%mul3A_164, %dma_start3A_169] : memref<10240x128xbf16, #tpu.memory_space<hbm>> -> memref<640x128xbf16, #tpu.memory_space<hbm>>
        %dma_start3A_171 = arith.constant 0 : i32
        %dma_start3A_172 = tpu.memref_slice %arg20[%mul3A_162, %dma_start3A_171] : memref<10240x128xbf16, #tpu.memory_space<vmem_shared>> -> memref<640x128xbf16, #tpu.memory_space<vmem_shared>>
        tpu.enqueue_dma source(%dma_start3A_172 : memref<640x128xbf16, #tpu.memory_space<vmem_shared>>) target(%dma_start3A_170 : memref<640x128xbf16, #tpu.memory_space<hbm>>) target_semaphore(%run_scoped3A : memref<!tpu.dma_semaphore, #tpu.memory_space<semaphore_mem>>)
        %dma_wait3A_173 = arith.constant 0 : i32
        %dma_wait3A_174 = tpu.memref_slice %arg7[%mul3A_164, %dma_wait3A_173] : memref<10240x128xbf16, #tpu.memory_space<hbm>> -> memref<640x128xbf16, #tpu.memory_space<hbm>>
        %dma_wait3A_175 = arith.constant 0 : i32
        %dma_wait3A_176 = tpu.memref_slice %arg20[%mul3A_162, %dma_wait3A_175] : memref<10240x128xbf16, #tpu.memory_space<vmem_shared>> -> memref<640x128xbf16, #tpu.memory_space<vmem_shared>>
        tpu.wait_dma2 semaphore(%run_scoped3A : memref<!tpu.dma_semaphore, #tpu.memory_space<semaphore_mem>>) src(%dma_wait3A_176 : memref<640x128xbf16, #tpu.memory_space<vmem_shared>>) dst(%dma_wait3A_174 : memref<640x128xbf16, #tpu.memory_space<hbm>>)
        tpu.yield
      }) : () -> ()
      %mul3A_165 = arith.constant 640 : i32
      %mul3A_166 = arith.muli %arg1, %mul3A_165 : i32
      %mul3A_167 = arith.constant 640 : i32
      %mul3A_168 = arith.muli %arg1, %mul3A_167 : i32
      "tpu.region"() ({
        %run_scoped3A = tpu.sem_alloc : memref<!tpu.dma_semaphore, #tpu.memory_space<semaphore_mem>>
        %dma_start3A_169 = tpu.memref_slice %arg9[%mul3A_168] : memref<10240xf32, #tpu.memory_space<hbm>> -> memref<640xf32, #tpu.memory_space<hbm>>
        %dma_start3A_170 = tpu.memref_slice %arg21[%mul3A_166] : memref<10240xf32, #tpu.memory_space<vmem_shared>> -> memref<640xf32, #tpu.memory_space<vmem_shared>>
        tpu.enqueue_dma source(%dma_start3A_170 : memref<640xf32, #tpu.memory_space<vmem_shared>>) target(%dma_start3A_169 : memref<640xf32, #tpu.memory_space<hbm>>) target_semaphore(%run_scoped3A : memref<!tpu.dma_semaphore, #tpu.memory_space<semaphore_mem>>)
        %dma_wait3A_171 = tpu.memref_slice %arg9[%mul3A_168] : memref<10240xf32, #tpu.memory_space<hbm>> -> memref<640xf32, #tpu.memory_space<hbm>>
        %dma_wait3A_172 = tpu.memref_slice %arg21[%mul3A_166] : memref<10240xf32, #tpu.memory_space<vmem_shared>> -> memref<640xf32, #tpu.memory_space<vmem_shared>>
        tpu.wait_dma2 semaphore(%run_scoped3A : memref<!tpu.dma_semaphore, #tpu.memory_space<semaphore_mem>>) src(%dma_wait3A_172 : memref<640xf32, #tpu.memory_space<vmem_shared>>) dst(%dma_wait3A_171 : memref<640xf32, #tpu.memory_space<hbm>>)
        tpu.yield
      }) : () -> ()
    } else {
    }
    return
  }
}

#map = affine_map<(d0, d1) -> (0, 0)>
#map1 = affine_map<(d0, d1) -> (0)>
module attributes {stable_mosaic.version = 14 : i64} {
  func.func @_deg_body(%arg0: i32, %arg1: i32, %arg2: memref<2560x128xi32, #tpu.memory_space<hbm>>, %arg3: memref<10240xf32, #tpu.memory_space<hbm>>, %arg4: memref<10240xf32, #tpu.memory_space<hbm>>, %arg5: memref<80x128xi32, #tpu.memory_space<vmem>>, %arg6: memref<128xf32, #tpu.memory_space<vmem>>, %arg7: memref<640xf32, #tpu.memory_space<vmem>>, %arg8: memref<10240xf32, #tpu.memory_space<vmem_shared>>) attributes {dimension_semantics = [#tpu.dimension_semantics<core_parallel>, #tpu.dimension_semantics<subcore_parallel>], iteration_bounds = array<i64: 2, 16>, scalar_prefetch = 0 : i64, scratch_operands = 4 : i64, tpu.core_type = #tpu.core_type<sc_vector_subcore>, window_params = [{transform_indices = #map}, {transform_indices = #map1}, {transform_indices = #map1}]} {
    %mul3A = arith.constant 2 : i32
    %mul3A_0 = arith.muli %arg1, %mul3A : i32
    %add3A = arith.addi %mul3A_0, %arg0 : i32
    %scan3A = arith.constant 0 : i32
    %scan3A_1 = arith.constant 0 : i32
    %scan3A_2 = arith.constant 40 : i32
    %scan3A_3 = arith.addi %scan3A_1, %scan3A_2 : i32
    %scan3A_4 = arith.constant 1 : i32
    %scan3A_5 = scf.for %scan3A_33 = %scan3A_1 to %scan3A_3 step %scan3A_4 iter_args(%scan3A_34 = %scan3A) -> (i32)  : i32 {
      %broadcast_in_dim3A = arith.constant 0.000000e+00 : f32
      %broadcast_in_dim3A_35 = vector.broadcast %broadcast_in_dim3A : f32 to vector<16xf32>
      %mul3A_36 = arith.constant 16 : i32
      %mul3A_37 = arith.muli %scan3A_33, %mul3A_36 : i32
      %swap3A = arith.index_cast %mul3A_37 : i32 to index
      %swap3A_38 = tpu.vector_load %arg7[%swap3A] {strides = array<i32>} : memref<640xf32, #tpu.memory_space<vmem>>, vector<16xf32>,
      %swap3A_39 = vector.shape_cast %swap3A_38 : vector<16xf32> to vector<16xf32>
      %swap3A_40 = vector.shape_cast %broadcast_in_dim3A_35 : vector<16xf32> to vector<16xf32>
      tpu.vector_store %arg7[%swap3A], %swap3A_40 {strides = array<i32>} : memref<640xf32, #tpu.memory_space<vmem>>, vector<16xf32>,
      %scan3A_41 = arith.constant 0 : i32
      scf.yield %scan3A_41 : i32
    }
    %scan3A_6 = arith.constant 40 : i32
    %scan3A_7 = arith.constant 0 : i32
    %scan3A_8 = arith.constant 0 : i32
    %scan3A_9 = arith.constant 8 : i32
    %scan3A_10 = arith.addi %scan3A_8, %scan3A_9 : i32
    %scan3A_11 = arith.constant 1 : i32
    %scan3A_12 = scf.for %scan3A_33 = %scan3A_8 to %scan3A_10 step %scan3A_11 iter_args(%scan3A_34 = %scan3A_7) -> (i32)  : i32 {
      %broadcast_in_dim3A = arith.constant 1.000000e+00 : f32
      %broadcast_in_dim3A_35 = vector.broadcast %broadcast_in_dim3A : f32 to vector<16xf32>
      %mul3A_36 = arith.constant 16 : i32
      %mul3A_37 = arith.muli %scan3A_33, %mul3A_36 : i32
      %swap3A = arith.index_cast %mul3A_37 : i32 to index
      %swap3A_38 = tpu.vector_load %arg6[%swap3A] {strides = array<i32>} : memref<128xf32, #tpu.memory_space<vmem>>, vector<16xf32>,
      %swap3A_39 = vector.shape_cast %swap3A_38 : vector<16xf32> to vector<16xf32>
      %swap3A_40 = vector.shape_cast %broadcast_in_dim3A_35 : vector<16xf32> to vector<16xf32>
      tpu.vector_store %arg6[%swap3A], %swap3A_40 {strides = array<i32>} : memref<128xf32, #tpu.memory_space<vmem>>, vector<16xf32>,
      %scan3A_41 = arith.constant 0 : i32
      scf.yield %scan3A_41 : i32
    }
    %scan3A_13 = arith.constant 8 : i32
    %mul3A_14 = arith.constant 640 : i32
    %mul3A_15 = arith.muli %arg1, %mul3A_14 : i32
    "tpu.region"() ({
      %run_scoped3A = tpu.sem_alloc : memref<!tpu.dma_semaphore, #tpu.memory_space<semaphore_mem>>
      %dma_start3A = tpu.memref_slice %arg8[%mul3A_15] : memref<10240xf32, #tpu.memory_space<vmem_shared>> -> memref<640xf32, #tpu.memory_space<vmem_shared>>
      %dma_start3A_33 = tpu.memref_slice %arg8[%mul3A_15] : memref<10240xf32, #tpu.memory_space<vmem_shared>> -> memref<640xf32, #tpu.memory_space<vmem_shared>>
      tpu.enqueue_dma source(%arg7 : memref<640xf32, #tpu.memory_space<vmem>>) target(%dma_start3A_33 : memref<640xf32, #tpu.memory_space<vmem_shared>>) target_semaphore(%run_scoped3A : memref<!tpu.dma_semaphore, #tpu.memory_space<semaphore_mem>>)
      %dma_wait3A = tpu.memref_slice %arg8[%mul3A_15] : memref<10240xf32, #tpu.memory_space<vmem_shared>> -> memref<640xf32, #tpu.memory_space<vmem_shared>>
      %dma_wait3A_34 = tpu.memref_slice %arg8[%mul3A_15] : memref<10240xf32, #tpu.memory_space<vmem_shared>> -> memref<640xf32, #tpu.memory_space<vmem_shared>>
      tpu.wait_dma2 semaphore(%run_scoped3A : memref<!tpu.dma_semaphore, #tpu.memory_space<semaphore_mem>>) src(%arg7 : memref<640xf32, #tpu.memory_space<vmem>>) dst(%dma_wait3A_34 : memref<640xf32, #tpu.memory_space<vmem_shared>>)
      tpu.yield
    }) : () -> ()
    %barrier3A = arith.constant 0 : index
    tpu.barrier barrier_id(%barrier3A)
    %mul3A_16 = arith.constant 80 : i32
    %mul3A_17 = arith.muli %add3A, %mul3A_16 : i32
    "tpu.region"() ({
      %run_scoped3A = tpu.sem_alloc : memref<!tpu.dma_semaphore, #tpu.memory_space<semaphore_mem>>
      %dma_start3A = arith.constant 0 : i32
      %dma_start3A_33 = tpu.memref_slice %arg2[%mul3A_17, %dma_start3A] : memref<2560x128xi32, #tpu.memory_space<hbm>> -> memref<80x128xi32, #tpu.memory_space<hbm>>
      %dma_start3A_34 = arith.constant 0 : i32
      %dma_start3A_35 = tpu.memref_slice %arg2[%mul3A_17, %dma_start3A_34] : memref<2560x128xi32, #tpu.memory_space<hbm>> -> memref<80x128xi32, #tpu.memory_space<hbm>>
      tpu.enqueue_dma source(%dma_start3A_35 : memref<80x128xi32, #tpu.memory_space<hbm>>) target(%arg5 : memref<80x128xi32, #tpu.memory_space<vmem>>) target_semaphore(%run_scoped3A : memref<!tpu.dma_semaphore, #tpu.memory_space<semaphore_mem>>)
      %dma_wait3A = arith.constant 0 : i32
      %dma_wait3A_36 = tpu.memref_slice %arg2[%mul3A_17, %dma_wait3A] : memref<2560x128xi32, #tpu.memory_space<hbm>> -> memref<80x128xi32, #tpu.memory_space<hbm>>
      %dma_wait3A_37 = arith.constant 0 : i32
      %dma_wait3A_38 = tpu.memref_slice %arg2[%mul3A_17, %dma_wait3A_37] : memref<2560x128xi32, #tpu.memory_space<hbm>> -> memref<80x128xi32, #tpu.memory_space<hbm>>
      tpu.wait_dma2 semaphore(%run_scoped3A : memref<!tpu.dma_semaphore, #tpu.memory_space<semaphore_mem>>) src(%dma_wait3A_38 : memref<80x128xi32, #tpu.memory_space<hbm>>) dst(%arg5 : memref<80x128xi32, #tpu.memory_space<vmem>>)
      tpu.yield
    }) : () -> ()
    %scan3A_18 = arith.constant 0 : i32
    %scan3A_19 = arith.constant 0 : i32
    %scan3A_20 = arith.constant 80 : i32
    %scan3A_21 = arith.addi %scan3A_19, %scan3A_20 : i32
    %scan3A_22 = arith.constant 1 : i32
    %scan3A_23 = scf.for %scan3A_33 = %scan3A_19 to %scan3A_21 step %scan3A_22 iter_args(%scan3A_34 = %scan3A_18) -> (i32)  : i32 {
      "tpu.region"() ({
        %run_scoped3A = tpu.sem_alloc : memref<!tpu.dma_semaphore, #tpu.memory_space<semaphore_mem>>
        %dma_start3A = arith.constant 0 : i32
        %dma_start3A_36 = tpu.memref_slice %arg5[%scan3A_33, %dma_start3A] : memref<80x128xi32, #tpu.memory_space<vmem>> -> memref<1x128xi32, #tpu.memory_space<vmem>>
        %dma_start3A_37 = tpu.memref_squeeze %dma_start3A_36 : memref<1x128xi32, #tpu.memory_space<vmem>> -> memref<128xi32, #tpu.memory_space<vmem>>
        %dma_start3A_38 = arith.constant 0 : i32
        %dma_start3A_39 = tpu.memref_slice %arg8[%dma_start3A_38] : memref<10240xf32, #tpu.memory_space<vmem_shared>> -> memref<10240xf32, #tpu.memory_space<vmem_shared>>
        tpu.enqueue_indirect_dma source(%arg6 : memref<128xf32, #tpu.memory_space<vmem>>) target(%dma_start3A_39 : memref<10240xf32, #tpu.memory_space<vmem_shared>>) offsets(%dma_start3A_37 : memref<128xi32, #tpu.memory_space<vmem>>) semaphore(%run_scoped3A : memref<!tpu.dma_semaphore, #tpu.memory_space<semaphore_mem>>) {add = true}
        %dma_wait3A = arith.constant 0 : i32
        %dma_wait3A_40 = tpu.memref_slice %arg5[%scan3A_33, %dma_wait3A] : memref<80x128xi32, #tpu.memory_space<vmem>> -> memref<1x128xi32, #tpu.memory_space<vmem>>
        %dma_wait3A_41 = tpu.memref_squeeze %dma_wait3A_40 : memref<1x128xi32, #tpu.memory_space<vmem>> -> memref<128xi32, #tpu.memory_space<vmem>>
        %dma_wait3A_42 = arith.constant 0 : i32
        %dma_wait3A_43 = tpu.memref_slice %arg8[%dma_wait3A_42] : memref<10240xf32, #tpu.memory_space<vmem_shared>> -> memref<10240xf32, #tpu.memory_space<vmem_shared>>
        tpu.wait_indirect_dma semaphore(%run_scoped3A : memref<!tpu.dma_semaphore, #tpu.memory_space<semaphore_mem>>) src(%arg6 : memref<128xf32, #tpu.memory_space<vmem>>) dst(%dma_wait3A_43 : memref<10240xf32, #tpu.memory_space<vmem_shared>>)
        tpu.yield
      }) : () -> ()
      %scan3A_35 = arith.constant 0 : i32
      scf.yield %scan3A_35 : i32
    }
    %scan3A_24 = arith.constant 80 : i32
    %barrier3A_25 = arith.constant 0 : index
    tpu.barrier barrier_id(%barrier3A_25)
    %eq3A = arith.constant 0 : i32
    %eq3A_26 = arith.cmpi eq, %arg0, %eq3A : i32
    %convert_element_type3A = arith.extui %eq3A_26 : i1 to i32
    %cond3A = arith.constant 0 : i32
    %cond3A_27 = arith.cmpi ne, %convert_element_type3A, %cond3A : i32
    scf.if %cond3A_27 {
      %mul3A_33 = arith.constant 640 : i32
      %mul3A_34 = arith.muli %arg1, %mul3A_33 : i32
      %mul3A_35 = arith.constant 640 : i32
      %mul3A_36 = arith.muli %arg1, %mul3A_35 : i32
      "tpu.region"() ({
        %run_scoped3A = tpu.sem_alloc : memref<!tpu.dma_semaphore, #tpu.memory_space<semaphore_mem>>
        %dma_start3A = tpu.memref_slice %arg3[%mul3A_36] : memref<10240xf32, #tpu.memory_space<hbm>> -> memref<640xf32, #tpu.memory_space<hbm>>
        %dma_start3A_37 = tpu.memref_slice %arg8[%mul3A_34] : memref<10240xf32, #tpu.memory_space<vmem_shared>> -> memref<640xf32, #tpu.memory_space<vmem_shared>>
        tpu.enqueue_dma source(%dma_start3A_37 : memref<640xf32, #tpu.memory_space<vmem_shared>>) target(%dma_start3A : memref<640xf32, #tpu.memory_space<hbm>>) target_semaphore(%run_scoped3A : memref<!tpu.dma_semaphore, #tpu.memory_space<semaphore_mem>>)
        %dma_wait3A = tpu.memref_slice %arg3[%mul3A_36] : memref<10240xf32, #tpu.memory_space<hbm>> -> memref<640xf32, #tpu.memory_space<hbm>>
        %dma_wait3A_38 = tpu.memref_slice %arg8[%mul3A_34] : memref<10240xf32, #tpu.memory_space<vmem_shared>> -> memref<640xf32, #tpu.memory_space<vmem_shared>>
        tpu.wait_dma2 semaphore(%run_scoped3A : memref<!tpu.dma_semaphore, #tpu.memory_space<semaphore_mem>>) src(%dma_wait3A_38 : memref<640xf32, #tpu.memory_space<vmem_shared>>) dst(%dma_wait3A : memref<640xf32, #tpu.memory_space<hbm>>)
        tpu.yield
      }) : () -> ()
    } else {
    }
    %eq3A_28 = arith.constant 1 : i32
    %eq3A_29 = arith.cmpi eq, %arg0, %eq3A_28 : i32
    %convert_element_type3A_30 = arith.extui %eq3A_29 : i1 to i32
    %cond3A_31 = arith.constant 0 : i32
    %cond3A_32 = arith.cmpi ne, %convert_element_type3A_30, %cond3A_31 : i32
    scf.if %cond3A_32 {
      %mul3A_33 = arith.constant 640 : i32
      %mul3A_34 = arith.muli %arg1, %mul3A_33 : i32
      %mul3A_35 = arith.constant 640 : i32
      %mul3A_36 = arith.muli %arg1, %mul3A_35 : i32
      "tpu.region"() ({
        %run_scoped3A = tpu.sem_alloc : memref<!tpu.dma_semaphore, #tpu.memory_space<semaphore_mem>>
        %dma_start3A = tpu.memref_slice %arg4[%mul3A_36] : memref<10240xf32, #tpu.memory_space<hbm>> -> memref<640xf32, #tpu.memory_space<hbm>>
        %dma_start3A_37 = tpu.memref_slice %arg8[%mul3A_34] : memref<10240xf32, #tpu.memory_space<vmem_shared>> -> memref<640xf32, #tpu.memory_space<vmem_shared>>
        tpu.enqueue_dma source(%dma_start3A_37 : memref<640xf32, #tpu.memory_space<vmem_shared>>) target(%dma_start3A : memref<640xf32, #tpu.memory_space<hbm>>) target_semaphore(%run_scoped3A : memref<!tpu.dma_semaphore, #tpu.memory_space<semaphore_mem>>)
        %dma_wait3A = tpu.memref_slice %arg4[%mul3A_36] : memref<10240xf32, #tpu.memory_space<hbm>> -> memref<640xf32, #tpu.memory_space<hbm>>
        %dma_wait3A_38 = tpu.memref_slice %arg8[%mul3A_34] : memref<10240xf32, #tpu.memory_space<vmem_shared>> -> memref<640xf32, #tpu.memory_space<vmem_shared>>
        tpu.wait_dma2 semaphore(%run_scoped3A : memref<!tpu.dma_semaphore, #tpu.memory_space<semaphore_mem>>) src(%dma_wait3A_38 : memref<640xf32, #tpu.memory_space<vmem_shared>>) dst(%dma_wait3A : memref<640xf32, #tpu.memory_space<hbm>>)
        tpu.yield
      }) : () -> ()
    } else {
    }
    return
  }
}

module attributes {stable_mosaic.version = 14 : i64} {
  func.func @_dense1_body(%arg0: i32, %arg1: memref<640x128xf32, #tpu.memory_space<vmem>>, %arg2: memref<128x128xf32, #tpu.memory_space<vmem>>, %arg3: memref<640x1xf32, #tpu.memory_space<vmem>>, %arg4: memref<640x1xf32, #tpu.memory_space<vmem>>, %arg5: memref<640x128xf32, #tpu.memory_space<vmem>>, %arg6: memref<640x1xf32, #tpu.memory_space<vmem>>) attributes {dimension_semantics = [#tpu.dimension_semantics<arbitrary>], iteration_bounds = array<i64: 16>, scalar_prefetch = 0 : i64, scratch_operands = 0 : i64, tpu.core_type = #tpu.core_type<tc>, window_params = [{transform_indices = @transform_0, window_bounds = array<i64: 640, 128>}, {pipeline_mode = #tpu.pipeline_mode<synchronous>, transform_indices = @transform_1, window_bounds = array<i64: 128, 128>}, {transform_indices = @transform_2, window_bounds = array<i64: 640, 1>}, {transform_indices = @transform_3, window_bounds = array<i64: 640, 1>}, {transform_indices = @transform_4, window_bounds = array<i64: 640, 128>}, {transform_indices = @transform_5, window_bounds = array<i64: 640, 1>}]} {
    %get3A = arith.constant 0 : index
    %get3A_0 = arith.constant 0 : index
    %get3A_1 = vector.load %arg3[%get3A, %get3A_0] : memref<640x1xf32, #tpu.memory_space<vmem>>, vector<640x1xf32>
    %get3A_2 = arith.constant 0 : index
    %get3A_3 = arith.constant 0 : index
    %get3A_4 = vector.load %arg4[%get3A_2, %get3A_3] : memref<640x1xf32, #tpu.memory_space<vmem>>, vector<640x1xf32>
    %add3A = arith.addf %get3A_1, %get3A_4 : vector<640x1xf32>
    %add3A_5 = arith.constant 1.000000e+00 : f32
    %add3A_6 = vector.broadcast %add3A_5 : f32 to vector<640x1xf32>
    %add3A_7 = arith.addf %add3A, %add3A_6 : vector<640x1xf32>
    %rsqrt3A = math.rsqrt %add3A_7 : vector<640x1xf32>
    %iota3A = tpu.iota {dimensions = array<i32: 0>} : vector<640x1xi32>
    %mul3A = arith.constant 640 : i32
    %mul3A_8 = arith.muli %arg0, %mul3A : i32
    %add3A_9 = vector.broadcast %mul3A_8 : i32 to vector<640x1xi32>
    %add3A_10 = arith.addi %iota3A, %add3A_9 : vector<640x1xi32>
    %lt3A = arith.constant 10000 : i32
    %lt3A_11 = vector.broadcast %lt3A : i32 to vector<640x1xi32>
    %lt3A_12 = arith.cmpi slt, %add3A_10, %lt3A_11 : vector<640x1xi32>
    %jit3A = arith.constant 0.000000e+00 : f32
    %broadcast_in_dim3A = vector.broadcast %jit3A : f32 to vector<640x1xf32>
    %select_n3A = arith.select %lt3A_12, %rsqrt3A, %broadcast_in_dim3A : vector<640x1xi1>, vector<640x1xf32>
    %swap3A = arith.constant 0 : index
    %swap3A_13 = arith.constant 0 : index
    %swap3A_14 = vector.load %arg6[%swap3A, %swap3A_13] : memref<640x1xf32, #tpu.memory_space<vmem>>, vector<640x1xf32>
    tpu.vector_store %arg6[%swap3A, %swap3A_13], %select_n3A {strides = array<i32>} : memref<640x1xf32, #tpu.memory_space<vmem>>, vector<640x1xf32>,
    %get3A_15 = arith.constant 0 : index
    %get3A_16 = arith.constant 0 : index
    %get3A_17 = vector.load %arg1[%get3A_15, %get3A_16] : memref<640x128xf32, #tpu.memory_space<vmem>>, vector<640x128xf32>
    %get3A_18 = arith.constant 0 : index
    %get3A_19 = arith.constant 0 : index
    %get3A_20 = vector.load %arg2[%get3A_18, %get3A_19] : memref<128x128xf32, #tpu.memory_space<vmem>>, vector<128x128xf32>
    %dot_general3A = arith.constant dense<0.000000e+00> : vector<640x128xf32>
    %dot_general3A_21 = tpu.matmul %get3A_17, %get3A_20, %dot_general3A {dimension_numbers = #tpu.dot_dimension_numbers<[1], [0], [0], [1], [0, 0, 1, 1], [], []>, transpose_lhs_hint = false} : vector<640x128xf32>, vector<128x128xf32>, vector<640x128xf32> -> vector<640x128xf32>
    %mul3A_22 = vector.broadcast %select_n3A : vector<640x1xf32> to vector<640x128xf32>
    %mul3A_23 = arith.mulf %dot_general3A_21, %mul3A_22 : vector<640x128xf32>
    %swap3A_24 = arith.constant 0 : index
    %swap3A_25 = arith.constant 0 : index
    %swap3A_26 = vector.load %arg5[%swap3A_24, %swap3A_25] : memref<640x128xf32, #tpu.memory_space<vmem>>, vector<640x128xf32>
    tpu.vector_store %arg5[%swap3A_24, %swap3A_25], %mul3A_23 {strides = array<i32>} : memref<640x128xf32, #tpu.memory_space<vmem>>, vector<640x128xf32>,
    return
  }
  func.func @transform_0(%arg0: i32) -> (i32, i32) {
    %c0_i32 = arith.constant 0 : i32
    %c0_i32_0 = arith.constant 0 : i32
    return %arg0, %c0_i32 : i32, i32
  }
  func.func @transform_1(%arg0: i32) -> (i32, i32) {
    %c0_i32 = arith.constant 0 : i32
    %c0_i32_0 = arith.constant 0 : i32
    %c0_i32_1 = arith.constant 0 : i32
    return %c0_i32, %c0_i32_0 : i32, i32
  }
  func.func @transform_2(%arg0: i32) -> (i32, i32) {
    %c0_i32 = arith.constant 0 : i32
    %c0_i32_0 = arith.constant 0 : i32
    return %arg0, %c0_i32 : i32, i32
  }
  func.func @transform_3(%arg0: i32) -> (i32, i32) {
    %c0_i32 = arith.constant 0 : i32
    %c0_i32_0 = arith.constant 0 : i32
    return %arg0, %c0_i32 : i32, i32
  }
  func.func @transform_4(%arg0: i32) -> (i32, i32) {
    %c0_i32 = arith.constant 0 : i32
    %c0_i32_0 = arith.constant 0 : i32
    return %arg0, %c0_i32 : i32, i32
  }
  func.func @transform_5(%arg0: i32) -> (i32, i32) {
    %c0_i32 = arith.constant 0 : i32
    %c0_i32_0 = arith.constant 0 : i32
    return %arg0, %c0_i32 : i32, i32
  }
}

module attributes {stable_mosaic.version = 14 : i64} {
  func.func @_dense2_body(%arg0: i32, %arg1: memref<640x128xbf16, #tpu.memory_space<vmem>>, %arg2: memref<640x128xbf16, #tpu.memory_space<vmem>>, %arg3: memref<640x128xf32, #tpu.memory_space<vmem>>, %arg4: memref<640x1xf32, #tpu.memory_space<vmem>>, %arg5: memref<640x1xf32, #tpu.memory_space<vmem>>, %arg6: memref<640x1xf32, #tpu.memory_space<vmem>>, %arg7: memref<1x128xf32, #tpu.memory_space<vmem>>, %arg8: memref<128x128xf32, #tpu.memory_space<vmem>>, %arg9: memref<1x128xf32, #tpu.memory_space<vmem>>, %arg10: memref<1x128xf32, #tpu.memory_space<vmem>>, %arg11: memref<1x128xf32, #tpu.memory_space<vmem>>) attributes {dimension_semantics = [#tpu.dimension_semantics<arbitrary>], iteration_bounds = array<i64: 16>, scalar_prefetch = 0 : i64, scratch_operands = 1 : i64, tpu.core_type = #tpu.core_type<tc>, window_params = [{transform_indices = @transform_0, window_bounds = array<i64: 640, 128>}, {transform_indices = @transform_1, window_bounds = array<i64: 640, 128>}, {transform_indices = @transform_2, window_bounds = array<i64: 640, 128>}, {transform_indices = @transform_3, window_bounds = array<i64: 640, 1>}, {transform_indices = @transform_4, window_bounds = array<i64: 640, 1>}, {transform_indices = @transform_5, window_bounds = array<i64: 640, 1>}, {pipeline_mode = #tpu.pipeline_mode<synchronous>, transform_indices = @transform_6, window_bounds = array<i64: 1, 128>}, {pipeline_mode = #tpu.pipeline_mode<synchronous>, transform_indices = @transform_7, window_bounds = array<i64: 128, 128>}, {pipeline_mode = #tpu.pipeline_mode<synchronous>, transform_indices = @transform_8, window_bounds = array<i64: 1, 128>}, {pipeline_mode = #tpu.pipeline_mode<synchronous>, transform_indices = @transform_9, window_bounds = array<i64: 1, 128>}]} {
    %get3A = arith.constant 0 : index
    %get3A_0 = arith.constant 0 : index
    %get3A_1 = vector.load %arg1[%get3A, %get3A_0] : memref<640x128xbf16, #tpu.memory_space<vmem>>, vector<640x128xbf16>
    %convert_element_type3A = arith.extf %get3A_1 : vector<640x128xbf16> to vector<640x128xf32>
    %get3A_2 = arith.constant 0 : index
    %get3A_3 = arith.constant 0 : index
    %get3A_4 = vector.load %arg2[%get3A_2, %get3A_3] : memref<640x128xbf16, #tpu.memory_space<vmem>>, vector<640x128xbf16>
    %convert_element_type3A_5 = arith.extf %get3A_4 : vector<640x128xbf16> to vector<640x128xf32>
    %add3A = arith.addf %convert_element_type3A, %convert_element_type3A_5 : vector<640x128xf32>
    %get3A_6 = arith.constant 0 : index
    %get3A_7 = arith.constant 0 : index
    %get3A_8 = vector.load %arg3[%get3A_6, %get3A_7] : memref<640x128xf32, #tpu.memory_space<vmem>>, vector<640x128xf32>
    %add3A_9 = arith.addf %add3A, %get3A_8 : vector<640x128xf32>
    %get3A_10 = arith.constant 0 : index
    %get3A_11 = arith.constant 0 : index
    %get3A_12 = vector.load %arg4[%get3A_10, %get3A_11] : memref<640x1xf32, #tpu.memory_space<vmem>>, vector<640x1xf32>
    %mul3A = vector.broadcast %get3A_12 : vector<640x1xf32> to vector<640x128xf32>
    %mul3A_13 = arith.mulf %add3A_9, %mul3A : vector<640x128xf32>
    %get3A_14 = arith.constant 0 : index
    %get3A_15 = arith.constant 0 : index
    %get3A_16 = vector.load %arg7[%get3A_14, %get3A_15] : memref<1x128xf32, #tpu.memory_space<vmem>>, vector<1x128xf32>
    %add3A_17 = vector.broadcast %get3A_16 : vector<1x128xf32> to vector<640x128xf32>
    %add3A_18 = arith.addf %mul3A_13, %add3A_17 : vector<640x128xf32>
    %max3A = arith.constant 0.000000e+00 : f32
    %max3A_19 = vector.broadcast %max3A : f32 to vector<640x128xf32>
    %max3A_20 = arith.maximumf %add3A_18, %max3A_19 : vector<640x128xf32>
    %get3A_21 = arith.constant 0 : index
    %get3A_22 = arith.constant 0 : index
    %get3A_23 = vector.load %arg5[%get3A_21, %get3A_22] : memref<640x1xf32, #tpu.memory_space<vmem>>, vector<640x1xf32>
    %get3A_24 = arith.constant 0 : index
    %get3A_25 = arith.constant 0 : index
    %get3A_26 = vector.load %arg6[%get3A_24, %get3A_25] : memref<640x1xf32, #tpu.memory_space<vmem>>, vector<640x1xf32>
    %add3A_27 = arith.addf %get3A_23, %get3A_26 : vector<640x1xf32>
    %add3A_28 = arith.addf %add3A_27, %get3A_12 : vector<640x1xf32>
    %mul3A_29 = arith.mulf %get3A_12, %add3A_28 : vector<640x1xf32>
    %mul3A_30 = vector.broadcast %mul3A_29 : vector<640x1xf32> to vector<640x128xf32>
    %mul3A_31 = arith.mulf %max3A_20, %mul3A_30 : vector<640x128xf32>
    %reduce_sum3A = arith.constant dense<0.000000e+00> : vector<128xf32>
    %reduce_sum3A_32 = vector.multi_reduction <add>, %mul3A_31, %reduce_sum3A [0] : vector<640x128xf32> to vector<128xf32>
    %broadcast_in_dim3A = vector.shape_cast %reduce_sum3A_32 : vector<128xf32> to vector<1x128xf32>
    %eq3A = arith.constant 0 : i32
    %eq3A_33 = arith.cmpi eq, %arg0, %eq3A : i32
    %convert_element_type3A_34 = arith.extui %eq3A_33 : i1 to i32
    %cond3A = arith.constant 0 : i32
    %cond3A_35 = arith.cmpi ne, %convert_element_type3A_34, %cond3A : i32
    scf.if %cond3A_35 {
      %swap3A = arith.constant 0 : index
      %swap3A_45 = arith.constant 0 : index
      %swap3A_46 = vector.load %arg11[%swap3A, %swap3A_45] : memref<1x128xf32, #tpu.memory_space<vmem>>, vector<1x128xf32>
      tpu.vector_store %arg11[%swap3A, %swap3A_45], %broadcast_in_dim3A {strides = array<i32>} : memref<1x128xf32, #tpu.memory_space<vmem>>, vector<1x128xf32>,
    } else {
    }
    %gt3A = arith.constant 0 : i32
    %gt3A_36 = arith.cmpi sgt, %arg0, %gt3A : i32
    %convert_element_type3A_37 = arith.extui %gt3A_36 : i1 to i32
    %cond3A_38 = arith.constant 0 : i32
    %cond3A_39 = arith.cmpi ne, %convert_element_type3A_37, %cond3A_38 : i32
    scf.if %cond3A_39 {
      %get3A_45 = arith.constant 0 : index
      %get3A_46 = arith.constant 0 : index
      %get3A_47 = vector.load %arg11[%get3A_45, %get3A_46] : memref<1x128xf32, #tpu.memory_space<vmem>>, vector<1x128xf32>
      %add3A_48 = arith.addf %get3A_47, %broadcast_in_dim3A : vector<1x128xf32>
      %swap3A = arith.constant 0 : index
      %swap3A_49 = arith.constant 0 : index
      %swap3A_50 = vector.load %arg11[%swap3A, %swap3A_49] : memref<1x128xf32, #tpu.memory_space<vmem>>, vector<1x128xf32>
      tpu.vector_store %arg11[%swap3A, %swap3A_49], %add3A_48 {strides = array<i32>} : memref<1x128xf32, #tpu.memory_space<vmem>>, vector<1x128xf32>,
    } else {
    }
    %eq3A_40 = arith.constant 15 : i32
    %eq3A_41 = arith.cmpi eq, %arg0, %eq3A_40 : i32
    %convert_element_type3A_42 = arith.extui %eq3A_41 : i1 to i32
    %cond3A_43 = arith.constant 0 : i32
    %cond3A_44 = arith.cmpi ne, %convert_element_type3A_42, %cond3A_43 : i32
    scf.if %cond3A_44 {
      %get3A_45 = arith.constant 0 : index
      %get3A_46 = arith.constant 0 : index
      %get3A_47 = vector.load %arg11[%get3A_45, %get3A_46] : memref<1x128xf32, #tpu.memory_space<vmem>>, vector<1x128xf32>
      %mul3A_48 = arith.constant 9.99999974E-5 : f32
      %mul3A_49 = vector.broadcast %mul3A_48 : f32 to vector<1x128xf32>
      %mul3A_50 = arith.mulf %get3A_47, %mul3A_49 : vector<1x128xf32>
      %get3A_51 = arith.constant 0 : index
      %get3A_52 = arith.constant 0 : index
      %get3A_53 = vector.load %arg8[%get3A_51, %get3A_52] : memref<128x128xf32, #tpu.memory_space<vmem>>, vector<128x128xf32>
      %dot_general3A = arith.constant dense<0.000000e+00> : vector<1x128xf32>
      %dot_general3A_54 = tpu.matmul %mul3A_50, %get3A_53, %dot_general3A {dimension_numbers = #tpu.dot_dimension_numbers<[1], [0], [0], [1], [0, 0, 1, 1], [], []>, transpose_lhs_hint = false} : vector<1x128xf32>, vector<128x128xf32>, vector<1x128xf32> -> vector<1x128xf32>
      %get3A_55 = arith.constant 0 : index
      %get3A_56 = arith.constant 0 : index
      %get3A_57 = vector.load %arg9[%get3A_55, %get3A_56] : memref<1x128xf32, #tpu.memory_space<vmem>>, vector<1x128xf32>
      %add3A_58 = arith.addf %dot_general3A_54, %get3A_57 : vector<1x128xf32>
      %swap3A = arith.constant 0 : index
      %swap3A_59 = arith.constant 0 : index
      %swap3A_60 = vector.load %arg10[%swap3A, %swap3A_59] : memref<1x128xf32, #tpu.memory_space<vmem>>, vector<1x128xf32>
      tpu.vector_store %arg10[%swap3A, %swap3A_59], %add3A_58 {strides = array<i32>} : memref<1x128xf32, #tpu.memory_space<vmem>>, vector<1x128xf32>,
    } else {
    }
    return
  }
  func.func @transform_0(%arg0: i32) -> (i32, i32) {
    %c0_i32 = arith.constant 0 : i32
    %c0_i32_0 = arith.constant 0 : i32
    return %arg0, %c0_i32 : i32, i32
  }
  func.func @transform_1(%arg0: i32) -> (i32, i32) {
    %c0_i32 = arith.constant 0 : i32
    %c0_i32_0 = arith.constant 0 : i32
    return %arg0, %c0_i32 : i32, i32
  }
  func.func @transform_2(%arg0: i32) -> (i32, i32) {
    %c0_i32 = arith.constant 0 : i32
    %c0_i32_0 = arith.constant 0 : i32
    return %arg0, %c0_i32 : i32, i32
  }
  func.func @transform_3(%arg0: i32) -> (i32, i32) {
    %c0_i32 = arith.constant 0 : i32
    %c0_i32_0 = arith.constant 0 : i32
    return %arg0, %c0_i32 : i32, i32
  }
  func.func @transform_4(%arg0: i32) -> (i32, i32) {
    %c0_i32 = arith.constant 0 : i32
    %c0_i32_0 = arith.constant 0 : i32
    return %arg0, %c0_i32 : i32, i32
  }
  func.func @transform_5(%arg0: i32) -> (i32, i32) {
    %c0_i32 = arith.constant 0 : i32
    %c0_i32_0 = arith.constant 0 : i32
    return %arg0, %c0_i32 : i32, i32
  }
  func.func @transform_6(%arg0: i32) -> (i32, i32) {
    %c0_i32 = arith.constant 0 : i32
    %c0_i32_0 = arith.constant 0 : i32
    %c0_i32_1 = arith.constant 0 : i32
    return %c0_i32, %c0_i32_0 : i32, i32
  }
  func.func @transform_7(%arg0: i32) -> (i32, i32) {
    %c0_i32 = arith.constant 0 : i32
    %c0_i32_0 = arith.constant 0 : i32
    %c0_i32_1 = arith.constant 0 : i32
    return %c0_i32, %c0_i32_0 : i32, i32
  }
  func.func @transform_8(%arg0: i32) -> (i32, i32) {
    %c0_i32 = arith.constant 0 : i32
    %c0_i32_0 = arith.constant 0 : i32
    %c0_i32_1 = arith.constant 0 : i32
    return %c0_i32, %c0_i32_0 : i32, i32
  }
  func.func @transform_9(%arg0: i32) -> (i32, i32) {
    %c0_i32 = arith.constant 0 : i32
    %c0_i32_0 = arith.constant 0 : i32
    %c0_i32_1 = arith.constant 0 : i32
    return %c0_i32, %c0_i32_0 : i32, i32
  }
}

</mosaic_0001>

<sc_bundles>
// kernel: kernel.6.cloned.1.call-start
scs
__scs_entry_jumppad:
0x0: {  	(pc) =	sbr.rel $0x88, $3  }
0x1: {  	(tag) =	ssettag $0x0;
	lr =	simm.s32 $0x1  }
0x2: {  	[smem:$0x3F9B] =	sst lr;
	_ =	strace $0xD0000000  }
0x3: {  	_ = 	snop  }
0x4: {  	_ = 	snop  }
0x5: {  	_ = 	snop  }
0x6: {  	_ = 	snop  }
0x7: {  	_ = 	snop  }
__scs_overlays_trampoline_lowered:
0x8: {  	[smem:$0x3FAA] =	sst s0  }
0x9: {  	[smem:$0x3FAB] =	sst s1  }
0xa: {  	[smem:$0x3FAC] =	sst s2  }
0xb: {  	[smem:$0x3FAD] =	sst s3  }
0xc: {  	[smem:$0x3FAE] =	sst s4  }
0xd: {  	[smem:$0x3FAF] =	sst s5  }
0xe: {  	[smem:$0x3FB0] =	sst s6  }
0xf: {  	[smem:$0x3FB1] =	sst s7  }
0x10: {  	[smem:$0x3FB2] =	sst s8  }
0x11: {  	[smem:$0x3FB3] =	sst s9;
	s0 =	simm.s32 @!p0 $0x0  }
0x12: {  	s1 =	sld [smem:$0x3F99];
	s0 =	simm.s32 @p0 $0x1  }
0x13: {  	[smem:$0x3FB4] =	sst s0;
	s0 =	simm.s32 @!p1 $0x0  }
0x14: {  	s2 =	sld [smem:$0x3F98];
	s0 =	simm.s32 @p1 $0x1  }
0x15: {  	[smem:$0x3FB5] =	sst s0;
	s0 =	simm.s32 @!p2 $0x0  }
0x16: {  	s3 =	sld [smem:$0x3FDB];
	s0 =	simm.s32 @p2 $0x1  }
0x17: {  	s4 =	simm.s32 $0x1BF5;
	[smem:$0x3FB7] =	sst s0  }
0x18: {  	s0 =	sld [smem:$0x3F9A];
	_ =	swait.ge [sflag:s4], $0x0  }
0x19: {  	s7 =	sld [smem:$0x3F9B]  }
0x1a: {  	s8 =	sadd.s32 $0xFFFFE003, lr  }
0x1b: {  	s9 =	sadd.s32 $0xFFFFFEF7, lr;
	s5 =	simm.s32 $0xFFFFFFFF;
	p2 =	slt.u32 s8, $0xFFFFF086  }
0x1c: {  	p1 =	slt.u32 s9, $0xF7A;
	s5 =	simm.s32 @!p2 $0x0  }
0x1d: {  	s5 =	simm.s32 @p1 $0x1;
	p0 =	seq.s32 s7, s2  }
0x1e: {  	s7 =	smul.u32 @!p0 $0xF7A, s2;
	p2 =	seq.s32 @!p0 s5, $0x0  }
0x1f: {  	s9 =	smul.u32 $0xF7A, s1;
	s8 =	simm.s32 @!p0 $0x1BF5;
	p2 =	por !p2, p0  }
0x20: {  	[sflag:s8] =	ssyncset.s32 @!p0 $0xFFFFF086;
	s6 =	sadd.s32 @!p0 s3, s7;
	s7 =	simm.s32 @!p0 $0x108  }
0x21: {  	s3 =	sadd.s32 s3, s9;
	s6 =	sadd.s32 @!p0 $0x88, s6;
	s7 =	simm.s32 @p2 $0x1082  }
0x22: {  	[simem:s7], [sflag:s8] =	dma.local @!p0 [hbm:s6], $0xF7A  }
0x23: {  	s9 =	sor.u32 $0xD0000000, s2;
	s6 =	simm.s32 $0x108;
	_ =	swait.ge @!p0 [sflag:s8], $0x0  }
0x24: {  	s3 =	sadd.s32 $0x88, s3;
	s6 =	simm.s32 @!p1 $0x1082;
	[sflag:s4] =	ssyncset.s32 $0xFFFFF086  }
0x25: {  	[simem:s6], [sflag:s4] =	dma.local [hbm:s3], $0xF7A  }
0x26: {  	[smem:$0x3F9B] =	sst s1;
	(tag) =	ssettag s2;
	_ =	strace s9  }
0x27: {  	s1 =	sld [smem:$0x3FAB]  }
0x28: {  	s2 =	sld [smem:$0x3FAC]  }
0x29: {  	s4 =	sld [smem:$0x3FAE]  }
0x2a: {  	p0 =	seq.s32 s5, $0x0;
	s5 =	sld [smem:$0x3FAF]  }
0x2b: {  	s6 =	sld [smem:$0x3FB0]  }
0x2c: {  	s7 =	sld [smem:$0x3FB1]  }
0x2d: {  	s3 =	simm.s32 $0x108;
	s8 =	sld [smem:$0x3FB2]  }
0x2e: {  	s3 =	simm.s32 @!p0 $0x1082;
	s9 =	sld [smem:$0x3FB3]  }
0x2f: {  	lr =	sadd.s32 s0, s3;
	s0 =	sld [smem:$0x3FAA]  }
0x30: {  	s3 =	sld [smem:$0x3FAD]  }
0x31: {  	[smem:$0x3FB6] =	sst s10  }
0x32: {  	s10 =	sld [smem:$0x3FB4];
	_ =	sdelay $0x3  }
0x33: {  	p0 =	seq.s32 s10, $0x1;
	s10 =	sld [smem:$0x3FB6];
	_ =	sdelay $0x3  }
0x34: {  	[smem:$0x3FB6] =	sst s10  }
0x35: {  	s10 =	sld [smem:$0x3FB5];
	_ =	sdelay $0x3  }
0x36: {  	p1 =	seq.s32 s10, $0x1;
	s10 =	sld [smem:$0x3FB6];
	_ =	sdelay $0x3  }
0x37: {  	[smem:$0x3FB6] =	sst s10  }
0x38: {  	s10 =	sld [smem:$0x3FB7]  }
0x39: {  	_ = 	snop;
	(pc) =	sbr.ind lr, $3  }
0x3a: {  	_ = 	snop  }
0x3b: {  	_ = 	snop  }
0x3c: {  	p2 =	seq.s32 s10, $0x1;
	s10 =	sld [smem:$0x3FB6]  }
0x3d: {  	_ =	shalt  }
0x3e: {  	_ =	shalt  }
0x3f: {  	_ =	shalt  }
0x40: {  	_ =	shalt  }
0x41: {  	_ =	shalt  }
0x42: {  	_ =	shalt  }
0x43: {  	_ =	shalt  }
0x44: {  	_ =	shalt  }
0x45: {  	_ =	shalt  }
0x46: {  	_ =	shalt  }
0x47: {  	_ =	shalt  }
0x48: {  	_ =	shalt  }
0x49: {  	_ =	shalt  }
0x4a: {  	_ =	shalt  }
0x4b: {  	_ =	shalt  }
0x4c: {  	_ =	shalt  }
0x4d: {  	_ =	shalt  }
0x4e: {  	_ =	shalt  }
0x4f: {  	_ =	shalt  }
0x50: {  	_ =	shalt  }
0x51: {  	_ =	shalt  }
0x52: {  	_ =	shalt  }
0x53: {  	_ =	shalt  }
0x54: {  	_ =	shalt  }
0x55: {  	_ =	shalt  }
0x56: {  	_ =	shalt  }
0x57: {  	_ =	shalt  }
0x58: {  	_ =	shalt  }
0x59: {  	_ =	shalt  }
0x5a: {  	_ =	shalt  }
0x5b: {  	_ =	shalt  }
0x5c: {  	_ =	shalt  }
0x5d: {  	_ =	shalt  }
0x5e: {  	_ =	shalt  }
0x5f: {  	_ =	shalt  }
0x60: {  	_ =	shalt  }
0x61: {  	_ =	shalt  }
0x62: {  	_ =	shalt  }
0x63: {  	_ =	shalt  }
0x64: {  	_ =	shalt  }
0x65: {  	_ =	shalt  }
0x66: {  	_ =	shalt  }
0x67: {  	_ =	shalt  }
0x68: {  	_ =	shalt  }
0x69: {  	_ =	shalt  }
0x6a: {  	_ =	shalt  }
0x6b: {  	_ =	shalt  }
0x6c: {  	_ =	shalt  }
0x6d: {  	_ =	shalt  }
0x6e: {  	_ =	shalt  }
0x6f: {  	_ =	shalt  }
0x70: {  	_ =	shalt  }
0x71: {  	_ =	shalt  }
0x72: {  	_ =	shalt  }
0x73: {  	_ =	shalt  }
0x74: {  	_ =	shalt  }
0x75: {  	_ =	shalt  }
0x76: {  	_ =	shalt  }
0x77: {  	_ =	shalt  }
0x78: {  	_ =	shalt  }
0x79: {  	_ =	shalt  }
0x7a: {  	_ =	shalt  }
0x7b: {  	_ =	shalt  }
0x7c: {  	_ =	shalt  }
0x7d: {  	_ =	shalt  }
0x7e: {  	_ =	shalt  }
0x7f: {  	_ =	shalt  }
0x80: {  	_ =	shalt  }
0x81: {  	_ =	shalt  }
0x82: {  	_ =	shalt  }
0x83: {  	_ =	shalt  }
0x84: {  	_ =	shalt  }
0x85: {  	_ =	shalt  }
0x86: {  	_ =	shalt  }
0x87: {  	_ =	shalt  }
.Lfunc_end0:
.L_simem_size_0:
called_computation_lowered:
.L_overlay_start_0:
0x88: {  	s2 =	sld [smem:$0x3FD9]  }
0x89: {  	s3 =	sld [smem:$0x3FFE];
	_ =	sdelay $0x1  }
0x8a: {  	s1 =	srdreg.scid  }
0x8b: {  	s0 =	sand.u32 $0x1, s1  }
0x8c: {  	s16 =	sshll.u32 s0, $0xA;
	s2 =	sadd.s32 s3, s2  }
0x8d: {  	s2 =	sadd.s32 s2, s16  }
0x8e: {  	[smem:$0x3FC2] =	sst s2  }
0x8f: {  	_ = 	snop  }
0x90: {  	(tm) =	ssettm $0x1  }
0x91: {  	s17 =	sld [smem:$0x3FFB];
	_ =	sdelay $0x3  }
0x92: {  	_ =	strace s17  }
0x93: {  	s2 =	sld [smem:$0x3FFC];
	_ =	sdelay $0x3  }
0x94: {  	_ =	strace s2  }
0x95: {  	s2 =	sld [smem:$0x3FFD];
	_ =	sdelay $0x3  }
0x96: {  	_ =	strace s2  }
0x97: {  	_ =	strace $0x8FFFFFFF  }
0x98: {  	s18 =	sld [smem:$0x3FDB];
	_ =	sdelay $0x1  }
0x99: {  	s19 =	simm.s32 $_scs_section_size  }
0x9a: {  	s4 =	simm.s32 $_size__tile_overlayer_lowered;
	s5 =	simm.s32 $_tile_overlayer_lowered  }
0x9b: {  	s22 =	simm.s32 $0x1BFF;
	s21 =	sshll.u32 s5, $0x1;
	s2 =	sadd.s32 s19, s18  }
0x9c: {  	s6 =	simm.s32 $0x0;
	s20 =	sshll.u32 s4, $0x1;
	s4 =	sadd.s32 s21, s2  }
0x9d: {  	[timem:s6], [sflag:s22] =	dma.local [hbm:s4], s20  }
0x9e: {  	_ =	swait.ge [sflag:s22], s20  }
0x9f: {  	s3 =	ssub.s32 $0x0, s20;
	[sflag:s22] =	ssyncset.done $0x0  }
0xa0: {  	[sflag:s22] =	ssyncadd.s32 s3;
	_ =	sdelay $0x1  }
0xa1: {  	s23 =	simm.s32 $0x1B8B  }
0xa2: {  	_ =	swait.ge [sflag:s23], $0x1  }
0xa3: {  	[sflag:s23] =	ssyncset.done $0x0  }
0xa4: {  	s25 =	simm.s32 $0x1B8E;
	s24 =	sld [smem:$0x3FFE];
	[sflag:s23] =	ssyncadd.s32 $0xFFFFFFFF  }
0xa5: {  	s26 =	simm.s32 $execute0_lowered;
	[smem:$0x3FD2] =	sst s25  }
0xa6: {  	s4 =	sshll.u32 s26, $0x1;
	_ =	strace $0x80000046;
	[dreg:$0x1] =	wrdreg $0xFFFFFFFF  }
0xa7: {  	s28 =	simm.s32 $_size_execute0_lowered;
	s2 =	sadd.s32 s2, s4;
	[dreg:$0x0] =	wrdreg $0x0  }
0xa8: {  	s4 =	sshll.u32 s28, $0x1;
	[dreg:$0x2] =	wrdreg s2  }
0xa9: {  	[dreg:$0x3] =	wrdreg s4  }
0xaa: {  	[dreg:$0x4] =	wrdreg $0xC0  }
0xab: {  	_ =	task [dreg:s6], $0x5FFFF  }
0xac: {  	[dreg:$0x1] =	wrdreg $0xFFFFFFFF  }
0xad: {  	[dreg:$0x0] =	wrdreg $0x60  }
0xae: {  	[dreg:$0x2] =	wrdreg s24  }
0xaf: {  	[dreg:$0x3] =	wrdreg $0x2B000  }
0xb0: {  	[dreg:$0x4] =	wrdreg $0x9  }
0xb1: {  	_ =	task.clear_ibuf [dreg:s6], $0x5FFFF;
	_ =	strace $0x90000046  }
0xb2: {  	s29 =	simm.s32 $0x9;
	_ =	strace $0x80000048  }
0xb3: {  	_ =	swait.ge [sflag:s29], $0x1  }
0xb4: {  	[sflag:s29] =	ssyncadd.s32 $0xFFFFFFFF  }
0xb5: {  	_ =	strace $0x90000048  }
0xb6: {  	_ =	sfence  }
0xb7: {  	s30 =	sld [smem:$0x0];
	_ =	sdelay $0x2  }
0xb8: {  	s31 =	sshll.u32 s1, $0xD;
	s1 =	sshrl.u32 s1, $0x2  }
0xb9: {  	s3 =	sand.u32 $0x4000, s31;
	s1 =	sadd.s32 s1, s30  }
0xba: {  	s0 =	sor.u32 s3, s0;
	s1 =	sshll.u32 s1, $0x11  }
0xbb: {  	s0 =	sor.u32 s1, s0  }
0xbc: {  	s0 =	sadd.s32 $0x8F2B, s0  }
0xbd: {  	[sflag:s0] =	ssyncadd.remote.s32 $0x1  }
0xbe: {  	_ =	sfence.sel $0xFFFF  }
0xbf: {  	[dreg:$0x0] =	wrdreg $0xFFFFFFFF;
	(pc) =	sbr.abs _section_cstart, $3  }
0xc0: {  	[dreg:$0x1] =	wrdreg $0xFFFFFFFF  }
0xc1: {  	_ =	task.clear_ibuf [dreg:s6], $0x2FFFF;
	_ =	strace $0x9FFFFFFF  }
0xc2: {  	(tm) =	ssettm $0x7FFFFFFF  }
0xc3: {  	_ =	shalt  }
tec
execute0_lowered:
.L_overlay_start_1:
0x0: {  	(tag) =	ssettag $0x1  }
0x1: {  	s7 =	rddreg [dreg:$0x0];
	s1 =	srdreg.scid  }
0x2: {  	s0 =	stileid.u32;
	s2 =	rddreg [dreg:$0x1]  }
0x3: {  	s3 =	simm.s32 $0x0;
	s10 =	simm.s32 $0x80;
	s11 =	simm.s32 $0x2800  }
0x4: {  	s14 =	simm.s32 $0x0;
	s4 =	sand.u32 $0x1, s1;
	s1 =	rddreg [dreg:$0x2]  }
0x5: {  	s5 =	sshll.u32 s0, $0x1;
	[smem:$0x7FF] =	sst s3;
	s9 =	smul.u32 $0x280, s0  }
0x6: {  	s12 =	sshll.u32 s0, $0x6;
	s5 =	sor.u32 s4, s5;
	_ =	strace $0x80000047  }
0x7: {  	s6 =	ssub.s32 $0x2, s4;
	p0 =	seq.s32 s4, $0x1;
	s12 =	sor.u32 $0x1C01, s12  }
0x8: {  	s5 =	smul.u32 $0x500, s5;
	s8 =	sshrl.u32 s6, $0x1;
	s4 =	sadd.s32 s9, s2  }
0x9: {  	s9 =	sshrl.u32 s9, $0x3;
	s6 =	ssub.s32 s6, s8;
	s8 =	simm.s32 $0x16400  }
0xa: {  	s13 =	sshrl.u32 s4, $0x3;
	s5 =	sadd.s32 s5, s7;
	s8 =	simm.s32 @!p0 $0x15E00  }
0xb: {  	s6 =	smax.u32 s6, $0x1;
	s5 =	sadd.s32 $0x1E00, s5;
	s7 =	sadd.s32 s8, s7  }
0xc: {  	v0 =	vimm.f32 $0.0e+00;
	v1 =	vimm.f32 $1.000000000e+00;
	s8 =	simm.s32 $0x2880;
	s7 =	sadd.s32 s7, s9;
	s9 =	simm.s32 $0x1  }
.LBB2_1:
0xd: {  	[tilespmem:$0x2880] =	vst v0  }
0xe: {  	[tilespmem:$0x2890] =	vst v0  }
0xf: {  	[tilespmem:$0x28A0] =	vst v0  }
0x10: {  	[tilespmem:$0x28B0] =	vst v0  }
0x11: {  	[tilespmem:$0x28C0] =	vst v0  }
0x12: {  	[tilespmem:$0x28D0] =	vst v0  }
0x13: {  	[tilespmem:$0x28E0] =	vst v0  }
0x14: {  	[tilespmem:$0x28F0] =	vst v0  }
0x15: {  	[tilespmem:$0x2900] =	vst v0  }
0x16: {  	[tilespmem:$0x2910] =	vst v0  }
0x17: {  	[tilespmem:$0x2920] =	vst v0  }
0x18: {  	[tilespmem:$0x2930] =	vst v0  }
0x19: {  	[tilespmem:$0x2940] =	vst v0  }
0x1a: {  	[tilespmem:$0x2950] =	vst v0  }
0x1b: {  	[tilespmem:$0x2960] =	vst v0  }
0x1c: {  	[tilespmem:$0x2970] =	vst v0  }
0x1d: {  	[tilespmem:$0x2980] =	vst v0  }
0x1e: {  	[tilespmem:$0x2990] =	vst v0  }
0x1f: {  	[tilespmem:$0x29A0] =	vst v0  }
0x20: {  	[tilespmem:$0x29B0] =	vst v0  }
0x21: {  	[tilespmem:$0x29C0] =	vst v0  }
0x22: {  	[tilespmem:$0x29D0] =	vst v0  }
0x23: {  	[tilespmem:$0x29E0] =	vst v0  }
0x24: {  	[tilespmem:$0x29F0] =	vst v0  }
0x25: {  	[tilespmem:$0x2A00] =	vst v0  }
0x26: {  	[tilespmem:$0x2A10] =	vst v0  }
0x27: {  	[tilespmem:$0x2A20] =	vst v0  }
0x28: {  	[tilespmem:$0x2A30] =	vst v0  }
0x29: {  	[tilespmem:$0x2A40] =	vst v0  }
0x2a: {  	[tilespmem:$0x2A50] =	vst v0  }
0x2b: {  	[tilespmem:$0x2A60] =	vst v0  }
0x2c: {  	[tilespmem:$0x2A70] =	vst v0  }
0x2d: {  	[tilespmem:$0x2A80] =	vst v0  }
0x2e: {  	[tilespmem:$0x2A90] =	vst v0  }
0x2f: {  	[tilespmem:$0x2AA0] =	vst v0  }
0x30: {  	[tilespmem:$0x2AB0] =	vst v0  }
0x31: {  	[tilespmem:$0x2AC0] =	vst v0  }
0x32: {  	[tilespmem:$0x2AD0] =	vst v0  }
0x33: {  	[tilespmem:$0x2AE0] =	vst v0  }
0x34: {  	[tilespmem:$0x2AF0] =	vst v0  }
0x35: {  	[tilespmem:$0x2800] =	vst v1  }
0x36: {  	[tilespmem:$0x2810] =	vst v1  }
0x37: {  	[tilespmem:$0x2820] =	vst v1  }
0x38: {  	[tilespmem:$0x2830] =	vst v1  }
0x39: {  	[tilespmem:$0x2840] =	vst v1  }
0x3a: {  	[tilespmem:$0x2850] =	vst v1  }
0x3b: {  	[tilespmem:$0x2860] =	vst v1  }
0x3c: {  	[tilespmem:$0x2870] =	vst v1  }
0x3d: {  	[spmem:s4] =	stream.linear.scatter [tilespmem:s8], [sflag:$0x1], $0x280, $0x38;
	[tilespmem:$0x2D80] =	vst v63  }
0x3e: {  	_ =	swait.ge [sflag:s9], $0x280  }
0x3f: {  	[sflag:s9] =	ssyncset.done $0x0  }
0x40: {  	[sflag:s9] =	ssyncadd.s32 $0xFFFFFD80  }
0x41: {  	[bflag:$0x0] =	sbarrier.arrive $0xFFFF  }
0x42: {  	[tilespmem:s3], [sflag:$0x1] =	stream.linear.gather [hbm4b:s5+s3], $0x2800, $0x38;
	[tilespmem:$0x2D80] =	vst v63  }
0x43: {  	_ =	swait.ge [sflag:s9], $0x2800  }
0x44: {  	[sflag:s9] =	ssyncset.done $0x0  }
0x45: {  	s15 =	simm.s32 $0x0;
	[sflag:s9] =	ssyncadd.s32 $0xFFFFD800  }
0x46: {  	[spmem:s2] =	stream.indirect.scatter.add.f32 [tilespmem:s11], [sflag:$0x1], $0x1, s15, s10, $0xb8;
	[tilespmem:$0x2D80] =	vst v63  }
0x47: {  	_ =	swait.ge [sflag:s9], $0x80  }
0x48: {  	s15 =	simm.s32 $0x200;
	[sflag:s9] =	ssyncset.done $0x0  }
.LBB2_2:
0x49: {  	s16 =	sshra.s32 s15, $0x2;
	[sflag:s9] =	ssyncadd.s32 $0xFFFFFF80;
	p0 =	sne.s32 s15, $0x9E00  }
0x4a: {  	[spmem:s2] =	stream.indirect.scatter.add.f32 [tilespmem:s11], [sflag:$0x1], $0x1, s16, s10, $0xb8;
	[tilespmem:$0x2D80] =	vst v63  }
.Ltmp0:
0x4b: {  	_ = 	snop;
	(pc) =	sbr.rel @p0 .LBB2_2-.Ltmp0, $4  }
0x4c: {  	_ = 	snop  }
0x4d: {  	s15 =	sadd.s32 $0x200, s15  }
0x4e: {  	_ =	swait.ge [sflag:s9], $0x80  }
0x4f: {  	[sflag:s9] =	ssyncset.done $0x0  }
0x50: {  	s14 =	sadd.s32 $0x1, s14  }
0x51: {  	[sflag:s9] =	ssyncadd.s32 $0xFFFFFF80;
	p0 =	sne.s32 s14, s6  }
.Ltmp1:
0x52: {  	[bflag:$0x0] =	sbarrier.arrive $0xFFFF;
	(pc) =	sbr.rel @p0 .LBB2_1-.Ltmp1, $4  }
0x53: {  	[hbm:s7], [sflag:s12] =	dma.local [spmem:s13], $0x50  }
0x54: {  	_ =	swait.ge [sflag:s9], $0x50  }
0x55: {  	[sflag:s9] =	ssyncset.done $0x0  }
0x56: {  	[sflag:s9] =	ssyncadd.s32 $0xFFFFFFB0  }
0x57: {  	_ =	sfence.sel $0x180000  }
0x58: {  	[bflag:$0x0] =	sbarrier.arrive $0xFFFF  }
0x59: {  	p0 =	sne.s32 s0, $0x0;
	_ =	strace $0x90000047  }
0x5a: {  	s0 =	sadd.s32 @!p0 $0x100000, s1;
	[bflag:$0x2] =	sbarrier.arrive $0xFFFF  }
0x5b: {  	[sflag:s0] =	ssyncadd.tile.s32 @!p0 $0x1;
	_ =	shalt  }
.Lfunc_end2:
_tile_overlayer_lowered:
.L_overlay_start_2:
0x5c: {  	(tag) =	ssettag $0x2  }
0x5d: {  	s0 =	rddreg [dreg:$0x0];
	s2 =	stileid.u32  }
0x5e: {  	s1 =	rddreg [dreg:$0x1];
	p0 =	sne.s32 s2, $0x0  }
0x5f: {  	s3 =	rddreg [dreg:$0x2];
	[bflag:$0x3] =	sbarrier.arrive $0xFFFF;
	s2 =	simm.s32 @!p0 $0x1C01  }
0x60: {  	[timem:s3], [sflag:s2] =	dma.local @!p0 [hbm:s0], s1  }
0x61: {  	s0 =	simm.s32 @!p0 $0x1  }
0x62: {  	_ =	swait.ge @!p0 [sflag:s0], s1  }
0x63: {  	s1 =	ssub.s32 @!p0 $0x0, s1;
	[sflag:s0] =	ssyncset.done @!p0 $0x0  }
0x64: {  	[sflag:s0] =	ssyncadd.s32 @!p0 s1  }
0x65: {  	[bflag:$0x3] =	sbarrier.arrive $0xFFFF  }
0x66: {  	_ =	shalt  }

// kernel: kernel.9.cloned.1.call-start
scs
__scs_entry_jumppad:
0x0: {  	(pc) =	sbr.rel $0x88, $3  }
0x1: {  	(tag) =	ssettag $0x0;
	lr =	simm.s32 $0x1  }
0x2: {  	[smem:$0x3F9B] =	sst lr;
	_ =	strace $0xD0000000  }
0x3: {  	_ = 	snop  }
0x4: {  	_ = 	snop  }
0x5: {  	_ = 	snop  }
0x6: {  	_ = 	snop  }
0x7: {  	_ = 	snop  }
__scs_overlays_trampoline_lowered:
0x8: {  	[smem:$0x3FAA] =	sst s0  }
0x9: {  	[smem:$0x3FAB] =	sst s1  }
0xa: {  	[smem:$0x3FAC] =	sst s2  }
0xb: {  	[smem:$0x3FAD] =	sst s3  }
0xc: {  	[smem:$0x3FAE] =	sst s4  }
0xd: {  	[smem:$0x3FAF] =	sst s5  }
0xe: {  	[smem:$0x3FB0] =	sst s6  }
0xf: {  	[smem:$0x3FB1] =	sst s7  }
0x10: {  	[smem:$0x3FB2] =	sst s8  }
0x11: {  	[smem:$0x3FB3] =	sst s9;
	s0 =	simm.s32 @!p0 $0x0  }
0x12: {  	s1 =	sld [smem:$0x3F99];
	s0 =	simm.s32 @p0 $0x1  }
0x13: {  	[smem:$0x3FB4] =	sst s0;
	s0 =	simm.s32 @!p1 $0x0  }
0x14: {  	s2 =	sld [smem:$0x3F98];
	s0 =	simm.s32 @p1 $0x1  }
0x15: {  	[smem:$0x3FB5] =	sst s0;
	s0 =	simm.s32 @!p2 $0x0  }
0x16: {  	s3 =	sld [smem:$0x3FDB];
	s0 =	simm.s32 @p2 $0x1  }
0x17: {  	s4 =	simm.s32 $0x1BF5;
	[smem:$0x3FB7] =	sst s0  }
0x18: {  	s0 =	sld [smem:$0x3F9A];
	_ =	swait.ge [sflag:s4], $0x0  }
0x19: {  	s7 =	sld [smem:$0x3F9B]  }
0x1a: {  	s8 =	sadd.s32 $0xFFFFE003, lr  }
0x1b: {  	s9 =	sadd.s32 $0xFFFFFEF7, lr;
	s5 =	simm.s32 $0xFFFFFFFF;
	p2 =	slt.u32 s8, $0xFFFFF086  }
0x1c: {  	p1 =	slt.u32 s9, $0xF7A;
	s5 =	simm.s32 @!p2 $0x0  }
0x1d: {  	s5 =	simm.s32 @p1 $0x1;
	p0 =	seq.s32 s7, s2  }
0x1e: {  	s7 =	smul.u32 @!p0 $0xF7A, s2;
	p2 =	seq.s32 @!p0 s5, $0x0  }
0x1f: {  	s9 =	smul.u32 $0xF7A, s1;
	s8 =	simm.s32 @!p0 $0x1BF5;
	p2 =	por !p2, p0  }
0x20: {  	[sflag:s8] =	ssyncset.s32 @!p0 $0xFFFFF086;
	s6 =	sadd.s32 @!p0 s3, s7;
	s7 =	simm.s32 @!p0 $0x108  }
0x21: {  	s3 =	sadd.s32 s3, s9;
	s6 =	sadd.s32 @!p0 $0x88, s6;
	s7 =	simm.s32 @p2 $0x1082  }
0x22: {  	[simem:s7], [sflag:s8] =	dma.local @!p0 [hbm:s6], $0xF7A  }
0x23: {  	s9 =	sor.u32 $0xD0000000, s2;
	s6 =	simm.s32 $0x108;
	_ =	swait.ge @!p0 [sflag:s8], $0x0  }
0x24: {  	s3 =	sadd.s32 $0x88, s3;
	s6 =	simm.s32 @!p1 $0x1082;
	[sflag:s4] =	ssyncset.s32 $0xFFFFF086  }
0x25: {  	[simem:s6], [sflag:s4] =	dma.local [hbm:s3], $0xF7A  }
0x26: {  	[smem:$0x3F9B] =	sst s1;
	(tag) =	ssettag s2;
	_ =	strace s9  }
0x27: {  	s1 =	sld [smem:$0x3FAB]  }
0x28: {  	s2 =	sld [smem:$0x3FAC]  }
0x29: {  	s4 =	sld [smem:$0x3FAE]  }
0x2a: {  	p0 =	seq.s32 s5, $0x0;
	s5 =	sld [smem:$0x3FAF]  }
0x2b: {  	s6 =	sld [smem:$0x3FB0]  }
0x2c: {  	s7 =	sld [smem:$0x3FB1]  }
0x2d: {  	s3 =	simm.s32 $0x108;
	s8 =	sld [smem:$0x3FB2]  }
0x2e: {  	s3 =	simm.s32 @!p0 $0x1082;
	s9 =	sld [smem:$0x3FB3]  }
0x2f: {  	lr =	sadd.s32 s0, s3;
	s0 =	sld [smem:$0x3FAA]  }
0x30: {  	s3 =	sld [smem:$0x3FAD]  }
0x31: {  	[smem:$0x3FB6] =	sst s10  }
0x32: {  	s10 =	sld [smem:$0x3FB4];
	_ =	sdelay $0x3  }
0x33: {  	p0 =	seq.s32 s10, $0x1;
	s10 =	sld [smem:$0x3FB6];
	_ =	sdelay $0x3  }
0x34: {  	[smem:$0x3FB6] =	sst s10  }
0x35: {  	s10 =	sld [smem:$0x3FB5];
	_ =	sdelay $0x3  }
0x36: {  	p1 =	seq.s32 s10, $0x1;
	s10 =	sld [smem:$0x3FB6];
	_ =	sdelay $0x3  }
0x37: {  	[smem:$0x3FB6] =	sst s10  }
0x38: {  	s10 =	sld [smem:$0x3FB7]  }
0x39: {  	_ = 	snop;
	(pc) =	sbr.ind lr, $3  }
0x3a: {  	_ = 	snop  }
0x3b: {  	_ = 	snop  }
0x3c: {  	p2 =	seq.s32 s10, $0x1;
	s10 =	sld [smem:$0x3FB6]  }
0x3d: {  	_ =	shalt  }
0x3e: {  	_ =	shalt  }
0x3f: {  	_ =	shalt  }
0x40: {  	_ =	shalt  }
0x41: {  	_ =	shalt  }
0x42: {  	_ =	shalt  }
0x43: {  	_ =	shalt  }
0x44: {  	_ =	shalt  }
0x45: {  	_ =	shalt  }
0x46: {  	_ =	shalt  }
0x47: {  	_ =	shalt  }
0x48: {  	_ =	shalt  }
0x49: {  	_ =	shalt  }
0x4a: {  	_ =	shalt  }
0x4b: {  	_ =	shalt  }
0x4c: {  	_ =	shalt  }
0x4d: {  	_ =	shalt  }
0x4e: {  	_ =	shalt  }
0x4f: {  	_ =	shalt  }
0x50: {  	_ =	shalt  }
0x51: {  	_ =	shalt  }
0x52: {  	_ =	shalt  }
0x53: {  	_ =	shalt  }
0x54: {  	_ =	shalt  }
0x55: {  	_ =	shalt  }
0x56: {  	_ =	shalt  }
0x57: {  	_ =	shalt  }
0x58: {  	_ =	shalt  }
0x59: {  	_ =	shalt  }
0x5a: {  	_ =	shalt  }
0x5b: {  	_ =	shalt  }
0x5c: {  	_ =	shalt  }
0x5d: {  	_ =	shalt  }
0x5e: {  	_ =	shalt  }
0x5f: {  	_ =	shalt  }
0x60: {  	_ =	shalt  }
0x61: {  	_ =	shalt  }
0x62: {  	_ =	shalt  }
0x63: {  	_ =	shalt  }
0x64: {  	_ =	shalt  }
0x65: {  	_ =	shalt  }
0x66: {  	_ =	shalt  }
0x67: {  	_ =	shalt  }
0x68: {  	_ =	shalt  }
0x69: {  	_ =	shalt  }
0x6a: {  	_ =	shalt  }
0x6b: {  	_ =	shalt  }
0x6c: {  	_ =	shalt  }
0x6d: {  	_ =	shalt  }
0x6e: {  	_ =	shalt  }
0x6f: {  	_ =	shalt  }
0x70: {  	_ =	shalt  }
0x71: {  	_ =	shalt  }
0x72: {  	_ =	shalt  }
0x73: {  	_ =	shalt  }
0x74: {  	_ =	shalt  }
0x75: {  	_ =	shalt  }
0x76: {  	_ =	shalt  }
0x77: {  	_ =	shalt  }
0x78: {  	_ =	shalt  }
0x79: {  	_ =	shalt  }
0x7a: {  	_ =	shalt  }
0x7b: {  	_ =	shalt  }
0x7c: {  	_ =	shalt  }
0x7d: {  	_ =	shalt  }
0x7e: {  	_ =	shalt  }
0x7f: {  	_ =	shalt  }
0x80: {  	_ =	shalt  }
0x81: {  	_ =	shalt  }
0x82: {  	_ =	shalt  }
0x83: {  	_ =	shalt  }
0x84: {  	_ =	shalt  }
0x85: {  	_ =	shalt  }
0x86: {  	_ =	shalt  }
0x87: {  	_ =	shalt  }
.Lfunc_end0:
.L_simem_size_0:
called_computation.1_lowered:
.L_overlay_start_0:
0x88: {  	s2 =	sld [smem:$0x3FD9]  }
0x89: {  	s3 =	sld [smem:$0x3FFE];
	_ =	sdelay $0x1  }
0x8a: {  	s1 =	srdreg.scid  }
0x8b: {  	s0 =	sand.u32 $0x1, s1  }
0x8c: {  	s16 =	sshll.u32 s0, $0xA;
	s2 =	sadd.s32 s3, s2  }
0x8d: {  	s2 =	sadd.s32 s2, s16  }
0x8e: {  	[smem:$0x3FC2] =	sst s2  }
0x8f: {  	_ = 	snop  }
0x90: {  	(tm) =	ssettm $0x1  }
0x91: {  	s17 =	sld [smem:$0x3FFB];
	_ =	sdelay $0x3  }
0x92: {  	_ =	strace s17  }
0x93: {  	s2 =	sld [smem:$0x3FFC];
	_ =	sdelay $0x3  }
0x94: {  	_ =	strace s2  }
0x95: {  	s2 =	sld [smem:$0x3FFD];
	_ =	sdelay $0x3  }
0x96: {  	_ =	strace s2  }
0x97: {  	_ =	strace $0x8FFFFFFF  }
0x98: {  	s18 =	sld [smem:$0x3FDB];
	_ =	sdelay $0x1  }
0x99: {  	s19 =	simm.s32 $_scs_section_size  }
0x9a: {  	s4 =	simm.s32 $_size__tile_overlayer_lowered;
	s5 =	simm.s32 $_tile_overlayer_lowered  }
0x9b: {  	s22 =	simm.s32 $0x1BFF;
	s21 =	sshll.u32 s5, $0x1;
	s2 =	sadd.s32 s19, s18  }
0x9c: {  	s6 =	simm.s32 $0x0;
	s20 =	sshll.u32 s4, $0x1;
	s4 =	sadd.s32 s21, s2  }
0x9d: {  	[timem:s6], [sflag:s22] =	dma.local [hbm:s4], s20  }
0x9e: {  	_ =	swait.ge [sflag:s22], s20  }
0x9f: {  	s3 =	ssub.s32 $0x0, s20;
	[sflag:s22] =	ssyncset.done $0x0  }
0xa0: {  	[sflag:s22] =	ssyncadd.s32 s3;
	_ =	sdelay $0x1  }
0xa1: {  	s23 =	simm.s32 $0x1B8B  }
0xa2: {  	_ =	swait.ge [sflag:s23], $0x1  }
0xa3: {  	[sflag:s23] =	ssyncset.done $0x0  }
0xa4: {  	s25 =	simm.s32 $0x1B8E;
	s24 =	sld [smem:$0x3FFE];
	[sflag:s23] =	ssyncadd.s32 $0xFFFFFFFF  }
0xa5: {  	s26 =	simm.s32 $execute0_lowered;
	[smem:$0x3FD2] =	sst s25  }
0xa6: {  	s4 =	sshll.u32 s26, $0x1;
	_ =	strace $0x80000049;
	[dreg:$0x1] =	wrdreg $0xFFFFFFFF  }
0xa7: {  	s28 =	simm.s32 $_size_execute0_lowered;
	s2 =	sadd.s32 s2, s4;
	[dreg:$0x0] =	wrdreg $0x0  }
0xa8: {  	s4 =	sshll.u32 s28, $0x1;
	[dreg:$0x2] =	wrdreg s2  }
0xa9: {  	[dreg:$0x3] =	wrdreg s4  }
0xaa: {  	[dreg:$0x4] =	wrdreg $0xC0  }
0xab: {  	_ =	task [dreg:s6], $0x5FFFF  }
0xac: {  	[dreg:$0x1] =	wrdreg $0xFFFFFFFF  }
0xad: {  	[dreg:$0x0] =	wrdreg $0x60  }
0xae: {  	[dreg:$0x2] =	wrdreg s24  }
0xaf: {  	[dreg:$0x3] =	wrdreg $0xB4000  }
0xb0: {  	[dreg:$0x4] =	wrdreg $0x154000  }
0xb1: {  	[dreg:$0x5] =	wrdreg $0x1F4000  }
0xb2: {  	[dreg:$0x6] =	wrdreg $0x9  }
0xb3: {  	_ =	task.clear_ibuf [dreg:s6], $0x7FFFF;
	_ =	strace $0x90000049  }
0xb4: {  	s29 =	simm.s32 $0x9;
	_ =	strace $0x8000004B  }
0xb5: {  	_ =	swait.ge [sflag:s29], $0x1  }
0xb6: {  	[sflag:s29] =	ssyncadd.s32 $0xFFFFFFFF  }
0xb7: {  	_ =	strace $0x9000004B  }
0xb8: {  	_ =	sfence  }
0xb9: {  	s30 =	sld [smem:$0x0];
	_ =	sdelay $0x2  }
0xba: {  	s31 =	sshll.u32 s1, $0xD;
	s1 =	sshrl.u32 s1, $0x2  }
0xbb: {  	s3 =	sand.u32 $0x4000, s31;
	s1 =	sadd.s32 s1, s30  }
0xbc: {  	s0 =	sor.u32 s3, s0;
	s1 =	sshll.u32 s1, $0x11  }
0xbd: {  	s0 =	sor.u32 s1, s0  }
0xbe: {  	s0 =	sadd.s32 $0x8F2B, s0  }
0xbf: {  	[sflag:s0] =	ssyncadd.remote.s32 $0x1  }
0xc0: {  	_ =	sfence.sel $0xFFFF  }
0xc1: {  	[dreg:$0x0] =	wrdreg $0xFFFFFFFF;
	(pc) =	sbr.abs _section_cstart, $3  }
0xc2: {  	[dreg:$0x1] =	wrdreg $0xFFFFFFFF  }
0xc3: {  	_ =	task.clear_ibuf [dreg:s6], $0x2FFFF;
	_ =	strace $0x9FFFFFFF  }
0xc4: {  	(tm) =	ssettm $0x7FFFFFFF  }
0xc5: {  	_ =	shalt  }
tec
execute0_lowered:
.L_overlay_start_1:
0x0: {  	(tag) =	ssettag $0x1  }
0x1: {  	s0 =	rddreg [dreg:$0x0]  }
0x2: {  	s2 =	rddreg [dreg:$0x1]  }
0x3: {  	s3 =	rddreg [dreg:$0x2]  }
0x4: {  	s4 =	rddreg [dreg:$0x3]  }
0x5: {  	s17 =	stileid.u32;
	s1 =	srdreg.scid  }
0x6: {  	s6 =	simm.s32 $0x0;
	s21 =	simm.s32 $0x80;
	s29 =	simm.s32 $0x9000  }
0x7: {  	s31 =	simm.s32 $0xB100;
	s28 =	simm.s32 $0x0;
	s1 =	sand.u32 $0x1, s1  }
0x8: {  	s5 =	sshll.u32 s17, $0x1;
	s7 =	smul.u32 $0x14000, s17;
	[smem:$0x7FF] =	sst s6  }
0x9: {  	s6 =	sadd.s32 $0x15E00, s0;
	s11 =	sadd.s32 $0x48A00, s0;
	s30 =	smul.u32 $0x28000, s17  }
0xa: {  	s12 =	sadd.s32 $0x34A00, s0;
	s13 =	sadd.s32 $0x16400, s0;
	s15 =	smul.u32 $0x280, s17  }
0xb: {  	s17 =	sshll.u32 s17, $0x6;
	s5 =	sor.u32 s1, s5;
	_ =	strace $0x8000004A  }
0xc: {  	s9 =	ssub.s32 $0x2, s1;
	s17 =	sor.u32 $0x1C0D, s17;
	p0 =	seq.s32 s1, $0x1  }
0xd: {  	s1 =	simm.s32 $0x4;
	s5 =	smul.u32 $0x500, s5;
	s10 =	sshrl.u32 s7, $0x4  }
0xe: {  	s14 =	sshrl.u32 s9, $0x1;
	s7 =	sshrl.u32 s7, $0x1;
	[dreg:$0x6] =	wrdreg s17  }
0xf: {  	s18 =	sadd.s32 s15, s4;
	s22 =	sshrl.u32 s15, $0x3;
	s11 =	smov.u32 @p0 s12  }
0x10: {  	s17 =	simm.s32 $0xD;
	s12 =	simm.s32 $0x8;
	s15 =	simm.s32 $0x6  }
0x11: {  	s8 =	sadd.s32 s10, s0;
	s14 =	ssub.s32 s9, s14;
	s16 =	sadd.s32 s7, s2  }
0x12: {  	s9 =	sshrl.u32 s30, $0x2;
	[dreg:$0x7] =	wrdreg s18;
	s20 =	sadd.s32 s7, s3  }
0x13: {  	s24 =	sadd.s32 s11, s10;
	s18 =	simm.s32 $0x5000;
	s7 =	simm.s32 $0x2  }
0x14: {  	s11 =	simm.s32 $0x5;
	s5 =	sadd.s32 s5, s0;
	s0 =	sadd.s32 $0x1E00, s0  }
0x15: {  	s8 =	sadd.s32 $0x20A00, s8;
	s9 =	sadd.s32 s9, s3;
	[dreg:$0xb] =	wrdreg s24  }
0x16: {  	s23 =	smax.u32 s14, $0x1;
	s26 =	sshrl.u32 s16, $0x3;
	[dreg:$0x5] =	wrdreg s8  }
0x17: {  	s30 =	sshrl.u32 s20, $0x3;
	s14 =	simm.s32 $0x3;
	[dreg:$0xa] =	wrdreg s23  }
0x18: {  	s16 =	simm.s32 $0x9;
	s24 =	simm.s32 $0xC;
	[dreg:$0xd] =	wrdreg s26  }
0x19: {  	s19 =	sadd.s32 $0x16A00, s5;
	s5 =	sadd.s32 $0xBE00, s5;
	[dreg:$0xe] =	wrdreg s30  }
0x1a: {  	s13 =	smov.u32 @p0 s0;
	s23 =	simm.s32 $0x7000;
	[dreg:$0x8] =	wrdreg s19  }
0x1b: {  	s26 =	simm.s32 $0xB080;
	s0 =	simm.s32 $0x1;
	[dreg:$0x9] =	wrdreg s5  }
0x1c: {  	s25 =	sadd.s32 s13, s22;
	s22 =	simm.s32 $0xB000;
	s19 =	simm.s32 $0x7  }
0x1d: {  	v0 =	vimm.bf16 $0.0e+00;
	v1 =	vimm.f32 $0.0e+00;
	s5 =	simm.s32 $0xA;
	s13 =	simm.s32 $0xB;
	[dreg:$0xc] =	wrdreg s25  }
.LBB2_1:
0x1e: {  	s8 =	simm.s32 $0x0  }
0x1f: {  	s10 =	sand.u32 $0xF00, s8;
	s20 =	sand.u32 $0x60, s8  }
0x20: {  	s10 =	sshrl.u32 s10, $0x2;
	s20 =	sshrl.u32 s20, $0x1  }
0x21: {  	s20 =	sor.u32 s20, s10  }
0x22: {  	s10 =	simm.s32 $0x40;
	[tilespmem:s20+$0x5000] =	vst v0;
	s20 =	simm.s32 $0x0  }
.LBB2_2:
0x23: {  	p0 =	sne.s32 s10, $0xFC0  }
.Ltmp0:
0x24: {  	s25 =	sand.u32 $0xF00, s10;
	s20 =	sadd.s32 $0x20, s20;
	(pc) =	sbr.rel @p0 .LBB2_2-.Ltmp0, $4  }
0x25: {  	s10 =	sadd.s32 $0x40, s10;
	s30 =	sand.u32 $0x60, s20  }
0x26: {  	s25 =	sshrl.u32 s25, $0x2;
	s30 =	sshrl.u32 s30, $0x1  }
0x27: {  	s25 =	sor.u32 s30, s25  }
0x28: {  	[tilespmem:s25+$0x5000] =	vst v0  }
0x29: {  	[tilespmem:$0xB180] =	vst v1  }
0x2a: {  	[tilespmem:$0xB190] =	vst v1  }
0x2b: {  	[tilespmem:$0xB1A0] =	vst v1  }
0x2c: {  	[tilespmem:$0xB1B0] =	vst v1  }
0x2d: {  	[tilespmem:$0xB1C0] =	vst v1  }
0x2e: {  	[tilespmem:$0xB1D0] =	vst v1  }
0x2f: {  	[tilespmem:$0xB1E0] =	vst v1  }
0x30: {  	[tilespmem:$0xB1F0] =	vst v1  }
0x31: {  	[tilespmem:$0xB200] =	vst v1  }
0x32: {  	[tilespmem:$0xB210] =	vst v1  }
0x33: {  	[tilespmem:$0xB220] =	vst v1  }
0x34: {  	[tilespmem:$0xB230] =	vst v1  }
0x35: {  	[tilespmem:$0xB240] =	vst v1  }
0x36: {  	[tilespmem:$0xB250] =	vst v1  }
0x37: {  	[tilespmem:$0xB260] =	vst v1  }
0x38: {  	[tilespmem:$0xB270] =	vst v1  }
0x39: {  	[tilespmem:$0xB280] =	vst v1  }
0x3a: {  	[tilespmem:$0xB290] =	vst v1  }
0x3b: {  	[tilespmem:$0xB2A0] =	vst v1  }
0x3c: {  	[tilespmem:$0xB2B0] =	vst v1  }
0x3d: {  	[tilespmem:$0xB2C0] =	vst v1  }
0x3e: {  	[tilespmem:$0xB2D0] =	vst v1  }
0x3f: {  	[tilespmem:$0xB2E0] =	vst v1  }
0x40: {  	[tilespmem:$0xB2F0] =	vst v1  }
0x41: {  	[tilespmem:$0xB300] =	vst v1  }
0x42: {  	[tilespmem:$0xB310] =	vst v1  }
0x43: {  	[tilespmem:$0xB320] =	vst v1  }
0x44: {  	[tilespmem:$0xB330] =	vst v1  }
0x45: {  	[tilespmem:$0xB340] =	vst v1  }
0x46: {  	[tilespmem:$0xB350] =	vst v1  }
0x47: {  	[tilespmem:$0xB360] =	vst v1  }
0x48: {  	[tilespmem:$0xB370] =	vst v1  }
0x49: {  	[tilespmem:$0xB380] =	vst v1  }
0x4a: {  	[tilespmem:$0xB390] =	vst v1  }
0x4b: {  	[tilespmem:$0xB3A0] =	vst v1  }
0x4c: {  	[tilespmem:$0xB3B0] =	vst v1  }
0x4d: {  	[tilespmem:$0xB3C0] =	vst v1  }
0x4e: {  	[tilespmem:$0xB3D0] =	vst v1;
	s8 =	rddreg [dreg:$0x5]  }
0x4f: {  	[tilespmem:$0xB3E0] =	vst v1;
	s10 =	rddreg [dreg:$0x6]  }
0x50: {  	[tilespmem:$0xB3F0] =	vst v1;
	s20 =	rddreg [dreg:$0xd]  }
0x51: {  	[spmem:s20], [sflag:s10] =	dma.local [hbm:s8], $0x1400  }
0x52: {  	_ =	swait.ge [sflag:s17], $0x1400  }
0x53: {  	[sflag:s17] =	ssyncset.done $0x0  }
0x54: {  	s30 =	sadd.s32 $0x0, s9;
	[sflag:s17] =	ssyncadd.s32 $0xFFFFEC00  }
0x55: {  	[spmem:s30] =	stream.linear.scatter [tilespmem:s18], [sflag:$0xD], $0x400, $0x38;
	[tilespmem:$0x1F680] =	vst v63  }
0x56: {  	s10 =	simm.s32 $0x1000;
	_ =	swait.ge [sflag:s17], $0x400  }
.LBB2_4:
0x57: {  	s20 =	sshra.s32 s10, $0x2;
	[sflag:s17] =	ssyncset.done $0x0;
	p0 =	sne.s32 s10, $0x27000  }
.Ltmp1:
0x58: {  	s20 =	sadd.s32 s20, s9;
	[sflag:s17] =	ssyncadd.s32 $0xFFFFFC00;
	(pc) =	sbr.rel @p0 .LBB2_4-.Ltmp1, $3  }
0x59: {  	[spmem:s20] =	stream.linear.scatter [tilespmem:s18], [sflag:$0xD], $0x400, $0x38;
	[tilespmem:$0x1F680] =	vst v63  }
0x5a: {  	s10 =	sadd.s32 $0x1000, s10;
	_ =	sdelay $0x1  }
0x5b: {  	_ =	swait.ge [sflag:s17], $0x400  }
0x5c: {  	[sflag:s17] =	ssyncset.done $0x0  }
0x5d: {  	s8 =	rddreg [dreg:$0x7];
	s10 =	simm.s32 $0xB180;
	[sflag:s17] =	ssyncadd.s32 $0xFFFFFC00  }
0x5e: {  	[spmem:s8] =	stream.linear.scatter [tilespmem:s10], [sflag:$0xD], $0x280, $0x38;
	[tilespmem:$0x1F680] =	vst v63  }
0x5f: {  	_ =	swait.ge [sflag:s17], $0x280  }
0x60: {  	[sflag:s17] =	ssyncset.done $0x0  }
0x61: {  	[sflag:s17] =	ssyncadd.s32 $0xFFFFFD80  }
0x62: {  	[bflag:$0x0] =	sbarrier.arrive $0xFFFF  }
0x63: {  	s10 =	simm.s32 $0x0;
	s20 =	rddreg [dreg:$0x8]  }
0x64: {  	[tilespmem:s10], [sflag:$0xD] =	stream.linear.gather [hbm4b:s20+s10], $0x2800, $0x38;
	[tilespmem:$0x1F680] =	vst v63  }
0x65: {  	_ =	swait.ge [sflag:s17], $0x2800  }
0x66: {  	[sflag:s17] =	ssyncset.done $0x0  }
0x67: {  	s20 =	simm.s32 $0x2800;
	s25 =	rddreg [dreg:$0x9];
	[sflag:s17] =	ssyncadd.s32 $0xFFFFD800  }
0x68: {  	[tilespmem:s20], [sflag:$0xD] =	stream.linear.gather [hbm4b:s25+s10], $0x2800, $0x38;
	[tilespmem:$0x1F680] =	vst v63  }
0x69: {  	_ =	swait.ge [sflag:s17], $0x2800  }
0x6a: {  	[sflag:s17] =	ssyncset.done $0x0  }
0x6b: {  	[sflag:s17] =	ssyncadd.s32 $0xFFFFD800  }
0x6c: {  	[tilespmem:s18], [sflag:$0x1] =	stream.indirect.gather [spmem:s2], $0x40, s10, s21, $0xb8;
	[tilespmem:$0x1F680] =	vst v63  }
0x6d: {  	_ = 	snop  }
0x6e: {  	[tilespmem:s22], [sflag:$0x4] =	stream.indirect.gather [hbm4b:s6+s21], $0x1, s20, s21, $0xb8;
	[tilespmem:$0x1F680] =	vst v63  }
0x6f: {  	_ = 	snop  }
0x70: {  	[tilespmem:s23], [sflag:$0x2] =	stream.indirect.gather [spmem:s2], $0x40, s21, s21, $0xb8;
	[tilespmem:$0x1F680] =	vst v63  }
0x71: {  	s8 =	simm.s32 $0x2880  }
0x72: {  	[tilespmem:s26], [sflag:$0x5] =	stream.indirect.gather [hbm4b:s6+s21], $0x1, s8, s21, $0xb8;
	[tilespmem:$0x1F680] =	vst v63  }
0x73: {  	s25 =	simm.s32 $0x100  }
0x74: {  	[tilespmem:s29], [sflag:$0x3] =	stream.indirect.gather [spmem:s2], $0x40, s25, s21, $0xb8;
	[tilespmem:$0x1F680] =	vst v63  }
0x75: {  	s30 =	simm.s32 $0x2900  }
0x76: {  	[tilespmem:s31], [sflag:$0x6] =	stream.indirect.gather [hbm4b:s6+s21], $0x1, s30, s21, $0xb8;
	[tilespmem:$0x1F680] =	vst v63  }
0x77: {  	_ =	swait.ge [sflag:s0], $0x2000  }
0x78: {  	[sflag:s0] =	ssyncset.done $0x0  }
0x79: {  	[sflag:s0] =	ssyncadd.s32 $0xFFFFE000  }
0x7a: {  	_ =	swait.ge [sflag:s1], $0x80  }
0x7b: {  	[sflag:s1] =	ssyncset.done $0x0  }
0x7c: {  	[sflag:s1] =	ssyncadd.s32 $0xFFFFFF80  }
0x7d: {  	[spmem:s3] =	stream.indirect.scatter.add.bf16 [tilespmem:s18], [sflag:$0x7], $0x40, s20, s21, $0xb8;
	[tilespmem:$0x1F680] =	vst v63  }
0x7e: {  	_ = 	snop  }
0x7f: {  	[spmem:s4] =	stream.indirect.scatter.add.f32 [tilespmem:s22], [sflag:$0xA], $0x1, s10, s21, $0xb8;
	[tilespmem:$0x1F680] =	vst v63  }
0x80: {  	_ =	swait.ge [sflag:s19], $0x2000  }
0x81: {  	[sflag:s19] =	ssyncset.done $0x0  }
0x82: {  	[sflag:s19] =	ssyncadd.s32 $0xFFFFE000  }
0x83: {  	_ =	swait.ge [sflag:s5], $0x80  }
0x84: {  	[sflag:s5] =	ssyncset.done $0x0  }
0x85: {  	s20 =	simm.s32 $0x180;
	[sflag:s5] =	ssyncadd.s32 $0xFFFFFF80  }
0x86: {  	[tilespmem:s18], [sflag:$0x1] =	stream.indirect.gather [spmem:s2], $0x40, s20, s21, $0xb8;
	[tilespmem:$0x1F680] =	vst v63  }
0x87: {  	s20 =	simm.s32 $0x2980  }
0x88: {  	[tilespmem:s22], [sflag:$0x4] =	stream.indirect.gather [hbm4b:s6+s21], $0x1, s20, s21, $0xb8;
	[tilespmem:$0x1F680] =	vst v63  }
0x89: {  	_ =	swait.ge [sflag:s7], $0x2000  }
0x8a: {  	[sflag:s7] =	ssyncset.done $0x0  }
0x8b: {  	[sflag:s7] =	ssyncadd.s32 $0xFFFFE000  }
0x8c: {  	_ =	swait.ge [sflag:s11], $0x80  }
0x8d: {  	[sflag:s11] =	ssyncset.done $0x0  }
0x8e: {  	[sflag:s11] =	ssyncadd.s32 $0xFFFFFF80  }
0x8f: {  	[spmem:s3] =	stream.indirect.scatter.add.bf16 [tilespmem:s23], [sflag:$0x8], $0x40, s8, s21, $0xb8;
	[tilespmem:$0x1F680] =	vst v63  }
0x90: {  	_ = 	snop  }
0x91: {  	[spmem:s4] =	stream.indirect.scatter.add.f32 [tilespmem:s26], [sflag:$0xB], $0x1, s21, s21, $0xb8;
	[tilespmem:$0x1F680] =	vst v63  }
0x92: {  	_ =	swait.ge [sflag:s12], $0x2000  }
0x93: {  	[sflag:s12] =	ssyncset.done $0x0  }
0x94: {  	[sflag:s12] =	ssyncadd.s32 $0xFFFFE000  }
0x95: {  	_ =	swait.ge [sflag:s13], $0x80  }
0x96: {  	[sflag:s13] =	ssyncset.done $0x0  }
0x97: {  	s10 =	simm.s32 $0x200;
	[sflag:s13] =	ssyncadd.s32 $0xFFFFFF80  }
0x98: {  	[tilespmem:s23], [sflag:$0x2] =	stream.indirect.gather [spmem:s2], $0x40, s10, s21, $0xb8;
	[tilespmem:$0x1F680] =	vst v63  }
0x99: {  	s20 =	simm.s32 $0x2A00  }
0x9a: {  	[tilespmem:s26], [sflag:$0x5] =	stream.indirect.gather [hbm4b:s6+s21], $0x1, s20, s21, $0xb8;
	[tilespmem:$0x1F680] =	vst v63  }
0x9b: {  	_ =	swait.ge [sflag:s14], $0x2000  }
0x9c: {  	[sflag:s14] =	ssyncset.done $0x0  }
0x9d: {  	[sflag:s14] =	ssyncadd.s32 $0xFFFFE000  }
0x9e: {  	_ =	swait.ge [sflag:s15], $0x80  }
0x9f: {  	[sflag:s15] =	ssyncset.done $0x0  }
0xa0: {  	[sflag:s15] =	ssyncadd.s32 $0xFFFFFF80  }
0xa1: {  	[spmem:s3] =	stream.indirect.scatter.add.bf16 [tilespmem:s29], [sflag:$0x9], $0x40, s30, s21, $0xb8;
	[tilespmem:$0x1F680] =	vst v63  }
0xa2: {  	_ = 	snop  }
0xa3: {  	[spmem:s4] =	stream.indirect.scatter.add.f32 [tilespmem:s31], [sflag:$0xC], $0x1, s25, s21, $0xb8;
	[tilespmem:$0x1F680] =	vst v63  }
0xa4: {  	_ =	swait.ge [sflag:s16], $0x2000  }
0xa5: {  	[sflag:s16] =	ssyncset.done $0x0  }
0xa6: {  	[sflag:s16] =	ssyncadd.s32 $0xFFFFE000  }
0xa7: {  	_ =	swait.ge [sflag:s24], $0x80  }
0xa8: {  	[sflag:s24] =	ssyncset.done $0x0  }
0xa9: {  	s30 =	simm.s32 $0x280;
	[sflag:s24] =	ssyncadd.s32 $0xFFFFFF80  }
0xaa: {  	[tilespmem:s29], [sflag:$0x3] =	stream.indirect.gather [spmem:s2], $0x40, s30, s21, $0xb8;
	[tilespmem:$0x1F680] =	vst v63  }
0xab: {  	s10 =	simm.s32 $0x2A80  }
0xac: {  	[tilespmem:s31], [sflag:$0x6] =	stream.indirect.gather [hbm4b:s6+s21], $0x1, s10, s21, $0xb8;
	[tilespmem:$0x1F680] =	vst v63  }
0xad: {  	_ =	swait.ge [sflag:s0], $0x2000  }
0xae: {  	[sflag:s0] =	ssyncset.done $0x0  }
0xaf: {  	[sflag:s0] =	ssyncadd.s32 $0xFFFFE000  }
0xb0: {  	_ =	swait.ge [sflag:s1], $0x80  }
0xb1: {  	[sflag:s1] =	ssyncset.done $0x0  }
0xb2: {  	s8 =	simm.s32 $0x2980;
	[sflag:s1] =	ssyncadd.s32 $0xFFFFFF80  }
0xb3: {  	[spmem:s3] =	stream.indirect.scatter.add.bf16 [tilespmem:s18], [sflag:$0x7], $0x40, s8, s21, $0xb8;
	[tilespmem:$0x1F680] =	vst v63  }
0xb4: {  	s25 =	simm.s32 $0x180  }
0xb5: {  	[spmem:s4] =	stream.indirect.scatter.add.f32 [tilespmem:s22], [sflag:$0xA], $0x1, s25, s21, $0xb8;
	[tilespmem:$0x1F680] =	vst v63  }
0xb6: {  	_ =	swait.ge [sflag:s19], $0x2000  }
0xb7: {  	[sflag:s19] =	ssyncset.done $0x0  }
0xb8: {  	[sflag:s19] =	ssyncadd.s32 $0xFFFFE000  }
0xb9: {  	_ =	swait.ge [sflag:s5], $0x80  }
0xba: {  	[sflag:s5] =	ssyncset.done $0x0  }
0xbb: {  	s8 =	simm.s32 $0x300;
	[sflag:s5] =	ssyncadd.s32 $0xFFFFFF80  }
0xbc: {  	[tilespmem:s18], [sflag:$0x1] =	stream.indirect.gather [spmem:s2], $0x40, s8, s21, $0xb8;
	[tilespmem:$0x1F680] =	vst v63  }
0xbd: {  	s25 =	simm.s32 $0x2B00  }
0xbe: {  	[tilespmem:s22], [sflag:$0x4] =	stream.indirect.gather [hbm4b:s6+s21], $0x1, s25, s21, $0xb8;
	[tilespmem:$0x1F680] =	vst v63  }
0xbf: {  	_ =	swait.ge [sflag:s7], $0x2000  }
0xc0: {  	[sflag:s7] =	ssyncset.done $0x0  }
0xc1: {  	[sflag:s7] =	ssyncadd.s32 $0xFFFFE000  }
0xc2: {  	_ =	swait.ge [sflag:s11], $0x80  }
0xc3: {  	[sflag:s11] =	ssyncset.done $0x0  }
0xc4: {  	s8 =	simm.s32 $0x2A00;
	[sflag:s11] =	ssyncadd.s32 $0xFFFFFF80  }
0xc5: {  	[spmem:s3] =	stream.indirect.scatter.add.bf16 [tilespmem:s23], [sflag:$0x8], $0x40, s8, s21, $0xb8;
	[tilespmem:$0x1F680] =	vst v63  }
0xc6: {  	s25 =	simm.s32 $0x200  }
0xc7: {  	[spmem:s4] =	stream.indirect.scatter.add.f32 [tilespmem:s26], [sflag:$0xB], $0x1, s25, s21, $0xb8;
	[tilespmem:$0x1F680] =	vst v63  }
0xc8: {  	_ =	swait.ge [sflag:s12], $0x2000  }
0xc9: {  	[sflag:s12] =	ssyncset.done $0x0  }
0xca: {  	[sflag:s12] =	ssyncadd.s32 $0xFFFFE000  }
0xcb: {  	_ =	swait.ge [sflag:s13], $0x80  }
0xcc: {  	[sflag:s13] =	ssyncset.done $0x0  }
0xcd: {  	s8 =	simm.s32 $0x380;
	[sflag:s13] =	ssyncadd.s32 $0xFFFFFF80  }
0xce: {  	[tilespmem:s23], [sflag:$0x2] =	stream.indirect.gather [spmem:s2], $0x40, s8, s21, $0xb8;
	[tilespmem:$0x1F680] =	vst v63  }
0xcf: {  	s25 =	simm.s32 $0x2B80  }
0xd0: {  	[tilespmem:s26], [sflag:$0x5] =	stream.indirect.gather [hbm4b:s6+s21], $0x1, s25, s21, $0xb8;
	[tilespmem:$0x1F680] =	vst v63  }
0xd1: {  	_ =	swait.ge [sflag:s14], $0x2000  }
0xd2: {  	[sflag:s14] =	ssyncset.done $0x0  }
0xd3: {  	[sflag:s14] =	ssyncadd.s32 $0xFFFFE000  }
0xd4: {  	_ =	swait.ge [sflag:s15], $0x80  }
0xd5: {  	[sflag:s15] =	ssyncset.done $0x0  }
0xd6: {  	s25 =	simm.s32 $0x600;
	[sflag:s15] =	ssyncadd.s32 $0xFFFFFF80  }
0xd7: {  	[spmem:s3] =	stream.indirect.scatter.add.bf16 [tilespmem:s29], [sflag:$0x9], $0x40, s10, s21, $0xb8;
	[tilespmem:$0x1F680] =	vst v63  }
.LBB2_6:
0xd8: {  	[spmem:s4] =	stream.indirect.scatter.add.f32 [tilespmem:s31], [sflag:$0xC], $0x1, s30, s21, $0xb8;
	[tilespmem:$0x1F680] =	vst v63  }
0xd9: {  	s10 =	smov.u32 s25  }
0xda: {  	p0 =	sne.s32 s25, $0x9000;
	s25 =	sadd.s32 $0x600, s25;
	_ =	swait.ge [sflag:s16], $0x2000  }
0xdb: {  	[sflag:s16] =	ssyncset.done $0x0  }
0xdc: {  	[sflag:s16] =	ssyncadd.s32 $0xFFFFE000  }
0xdd: {  	_ =	swait.ge [sflag:s24], $0x80  }
0xde: {  	s10 =	sshra.s32 s10, $0x2;
	[sflag:s24] =	ssyncset.done $0x0  }
0xdf: {  	s30 =	sadd.s32 $0x280, s10;
	[sflag:s24] =	ssyncadd.s32 $0xFFFFFF80  }
0xe0: {  	[tilespmem:s29], [sflag:$0x3] =	stream.indirect.gather [spmem:s2], $0x40, s30, s21, $0xb8;
	[tilespmem:$0x1F680] =	vst v63  }
0xe1: {  	s20 =	sadd.s32 $0x2A80, s10  }
0xe2: {  	[tilespmem:s31], [sflag:$0x6] =	stream.indirect.gather [hbm4b:s6+s21], $0x1, s20, s21, $0xb8;
	[tilespmem:$0x1F680] =	vst v63  }
0xe3: {  	_ =	swait.ge [sflag:s0], $0x2000  }
0xe4: {  	[sflag:s0] =	ssyncset.done $0x0  }
0xe5: {  	[sflag:s0] =	ssyncadd.s32 $0xFFFFE000  }
0xe6: {  	_ =	swait.ge [sflag:s1], $0x80  }
0xe7: {  	[sflag:s1] =	ssyncset.done $0x0  }
0xe8: {  	s8 =	sadd.s32 $0x2980, s10;
	[sflag:s1] =	ssyncadd.s32 $0xFFFFFF80  }
0xe9: {  	[spmem:s3] =	stream.indirect.scatter.add.bf16 [tilespmem:s18], [sflag:$0x7], $0x40, s8, s21, $0xb8;
	[tilespmem:$0x1F680] =	vst v63  }
0xea: {  	s8 =	sadd.s32 $0x180, s10  }
0xeb: {  	[spmem:s4] =	stream.indirect.scatter.add.f32 [tilespmem:s22], [sflag:$0xA], $0x1, s8, s21, $0xb8;
	[tilespmem:$0x1F680] =	vst v63  }
0xec: {  	_ =	swait.ge [sflag:s19], $0x2000  }
0xed: {  	[sflag:s19] =	ssyncset.done $0x0  }
0xee: {  	[sflag:s19] =	ssyncadd.s32 $0xFFFFE000  }
0xef: {  	_ =	swait.ge [sflag:s5], $0x80  }
0xf0: {  	[sflag:s5] =	ssyncset.done $0x0  }
0xf1: {  	s8 =	sadd.s32 $0x300, s10;
	[sflag:s5] =	ssyncadd.s32 $0xFFFFFF80  }
0xf2: {  	[tilespmem:s18], [sflag:$0x1] =	stream.indirect.gather [spmem:s2], $0x40, s8, s21, $0xb8;
	[tilespmem:$0x1F680] =	vst v63  }
0xf3: {  	s8 =	sadd.s32 $0x2B00, s10  }
0xf4: {  	[tilespmem:s22], [sflag:$0x4] =	stream.indirect.gather [hbm4b:s6+s21], $0x1, s8, s21, $0xb8;
	[tilespmem:$0x1F680] =	vst v63  }
0xf5: {  	_ =	swait.ge [sflag:s7], $0x2000  }
0xf6: {  	[sflag:s7] =	ssyncset.done $0x0  }
0xf7: {  	[sflag:s7] =	ssyncadd.s32 $0xFFFFE000  }
0xf8: {  	_ =	swait.ge [sflag:s11], $0x80  }
0xf9: {  	[sflag:s11] =	ssyncset.done $0x0  }
0xfa: {  	s8 =	sadd.s32 $0x2A00, s10;
	[sflag:s11] =	ssyncadd.s32 $0xFFFFFF80  }
0xfb: {  	[spmem:s3] =	stream.indirect.scatter.add.bf16 [tilespmem:s23], [sflag:$0x8], $0x40, s8, s21, $0xb8;
	[tilespmem:$0x1F680] =	vst v63  }
0xfc: {  	s8 =	sadd.s32 $0x200, s10  }
0xfd: {  	[spmem:s4] =	stream.indirect.scatter.add.f32 [tilespmem:s26], [sflag:$0xB], $0x1, s8, s21, $0xb8;
	[tilespmem:$0x1F680] =	vst v63  }
0xfe: {  	_ =	swait.ge [sflag:s12], $0x2000  }
0xff: {  	[sflag:s12] =	ssyncset.done $0x0  }
0x100: {  	[sflag:s12] =	ssyncadd.s32 $0xFFFFE000  }
0x101: {  	_ =	swait.ge [sflag:s13], $0x80  }
0x102: {  	[sflag:s13] =	ssyncset.done $0x0  }
0x103: {  	s8 =	sadd.s32 $0x380, s10;
	[sflag:s13] =	ssyncadd.s32 $0xFFFFFF80  }
0x104: {  	[tilespmem:s23], [sflag:$0x2] =	stream.indirect.gather [spmem:s2], $0x40, s8, s21, $0xb8;
	[tilespmem:$0x1F680] =	vst v63  }
0x105: {  	s8 =	sadd.s32 $0x2B80, s10  }
0x106: {  	[tilespmem:s26], [sflag:$0x5] =	stream.indirect.gather [hbm4b:s6+s21], $0x1, s8, s21, $0xb8;
	[tilespmem:$0x1F680] =	vst v63  }
0x107: {  	_ =	swait.ge [sflag:s14], $0x2000  }
0x108: {  	[sflag:s14] =	ssyncset.done $0x0  }
.Ltmp2:
0x109: {  	[sflag:s14] =	ssyncadd.s32 $0xFFFFE000;
	(pc) =	sbr.rel @p0 .LBB2_6-.Ltmp2, $4  }
0x10a: {  	_ =	swait.ge [sflag:s15], $0x80  }
0x10b: {  	[sflag:s15] =	ssyncset.done $0x0  }
0x10c: {  	[sflag:s15] =	ssyncadd.s32 $0xFFFFFF80  }
0x10d: {  	[spmem:s3] =	stream.indirect.scatter.add.bf16 [tilespmem:s29], [sflag:$0x9], $0x40, s20, s21, $0xb8;
	[tilespmem:$0x1F680] =	vst v63  }
0x10e: {  	[spmem:s4] =	stream.indirect.scatter.add.f32 [tilespmem:s31], [sflag:$0xC], $0x1, s30, s21, $0xb8;
	[tilespmem:$0x1F680] =	vst v63  }
0x10f: {  	_ =	swait.ge [sflag:s0], $0x2000  }
0x110: {  	[sflag:s0] =	ssyncset.done $0x0  }
0x111: {  	[sflag:s0] =	ssyncadd.s32 $0xFFFFE000  }
0x112: {  	_ =	swait.ge [sflag:s1], $0x80  }
0x113: {  	[sflag:s1] =	ssyncset.done $0x0  }
0x114: {  	s8 =	simm.s32 $0x4F00;
	[sflag:s1] =	ssyncadd.s32 $0xFFFFFF80  }
0x115: {  	[spmem:s3] =	stream.indirect.scatter.add.bf16 [tilespmem:s18], [sflag:$0x7], $0x40, s8, s21, $0xb8;
	[tilespmem:$0x1F680] =	vst v63  }
0x116: {  	s10 =	simm.s32 $0x2700  }
0x117: {  	[spmem:s4] =	stream.indirect.scatter.add.f32 [tilespmem:s22], [sflag:$0xA], $0x1, s10, s21, $0xb8;
	[tilespmem:$0x1F680] =	vst v63  }
0x118: {  	_ =	swait.ge [sflag:s7], $0x2000  }
0x119: {  	[sflag:s7] =	ssyncset.done $0x0  }
0x11a: {  	[sflag:s7] =	ssyncadd.s32 $0xFFFFE000  }
0x11b: {  	_ =	swait.ge [sflag:s11], $0x80  }
0x11c: {  	[sflag:s11] =	ssyncset.done $0x0  }
0x11d: {  	s20 =	simm.s32 $0x4F80;
	[sflag:s11] =	ssyncadd.s32 $0xFFFFFF80  }
0x11e: {  	[spmem:s3] =	stream.indirect.scatter.add.bf16 [tilespmem:s23], [sflag:$0x8], $0x40, s20, s21, $0xb8;
	[tilespmem:$0x1F680] =	vst v63  }
0x11f: {  	s25 =	simm.s32 $0x2780  }
0x120: {  	[spmem:s4] =	stream.indirect.scatter.add.f32 [tilespmem:s26], [sflag:$0xB], $0x1, s25, s21, $0xb8;
	[tilespmem:$0x1F680] =	vst v63  }
0x121: {  	_ =	swait.ge [sflag:s12], $0x2000  }
0x122: {  	[sflag:s12] =	ssyncset.done $0x0  }
0x123: {  	[sflag:s12] =	ssyncadd.s32 $0xFFFFE000  }
0x124: {  	_ =	swait.ge [sflag:s13], $0x80  }
0x125: {  	[sflag:s13] =	ssyncset.done $0x0  }
0x126: {  	[sflag:s13] =	ssyncadd.s32 $0xFFFFFF80  }
0x127: {  	_ =	swait.ge [sflag:s19], $0x2000  }
0x128: {  	[sflag:s19] =	ssyncset.done $0x0  }
0x129: {  	[sflag:s19] =	ssyncadd.s32 $0xFFFFE000  }
0x12a: {  	_ =	swait.ge [sflag:s5], $0x80  }
0x12b: {  	[sflag:s5] =	ssyncset.done $0x0  }
0x12c: {  	[sflag:s5] =	ssyncadd.s32 $0xFFFFFF80  }
0x12d: {  	_ =	swait.ge [sflag:s16], $0x2000  }
0x12e: {  	[sflag:s16] =	ssyncset.done $0x0  }
0x12f: {  	[sflag:s16] =	ssyncadd.s32 $0xFFFFE000  }
0x130: {  	_ =	swait.ge [sflag:s24], $0x80  }
0x131: {  	[sflag:s24] =	ssyncset.done $0x0  }
0x132: {  	[sflag:s24] =	ssyncadd.s32 $0xFFFFFF80  }
0x133: {  	[bflag:$0x0] =	sbarrier.arrive $0xFFFF  }
0x134: {  	s10 =	rddreg [dreg:$0x6]  }
0x135: {  	s30 =	rddreg [dreg:$0xb]  }
0x136: {  	s20 =	rddreg [dreg:$0xe]  }
0x137: {  	[hbm:s30], [sflag:s10] =	dma.local [spmem:s20], $0x1400  }
0x138: {  	_ =	swait.ge [sflag:s17], $0x1400  }
0x139: {  	[sflag:s17] =	ssyncset.done $0x0;
	s20 =	rddreg [dreg:$0x7]  }
0x13a: {  	s25 =	rddreg [dreg:$0xc];
	[sflag:s17] =	ssyncadd.s32 $0xFFFFEC00;
	s8 =	sshrl.u32 s20, $0x3  }
0x13b: {  	[hbm:s25], [sflag:s10] =	dma.local [spmem:s8], $0x50  }
0x13c: {  	_ =	swait.ge [sflag:s17], $0x50  }
0x13d: {  	s28 =	sadd.s32 $0x1, s28;
	s30 =	rddreg [dreg:$0xa]  }
0x13e: {  	p0 =	sne.s32 s28, s30  }
.Ltmp3:
0x13f: {  	_ = 	snop;
	(pc) =	sbr.rel @p0 .LBB2_1-.Ltmp3, $3  }
0x140: {  	_ =	sdelay $0x1  }
0x141: {  	[sflag:s17] =	ssyncset.done $0x0  }
0x142: {  	[sflag:s17] =	ssyncadd.s32 $0xFFFFFFB0  }
0x143: {  	_ =	sfence.sel $0x180000  }
0x144: {  	[bflag:$0x0] =	sbarrier.arrive $0xFFFF  }
0x145: {  	_ =	strace $0x9000004A  }
0x146: {  	s0 =	stileid.u32;
	[bflag:$0x2] =	sbarrier.arrive $0xFFFF  }
0x147: {  	p0 =	sne.s32 s0, $0x0;
	s0 =	rddreg [dreg:$0x4]  }
0x148: {  	s0 =	sadd.s32 @!p0 $0x100000, s0  }
0x149: {  	[sflag:s0] =	ssyncadd.tile.s32 @!p0 $0x1;
	_ =	shalt  }
.Lfunc_end2:
_tile_overlayer_lowered:
.L_overlay_start_2:
0x14a: {  	(tag) =	ssettag $0x2  }
0x14b: {  	s0 =	rddreg [dreg:$0x0];
	s2 =	stileid.u32  }
0x14c: {  	s1 =	rddreg [dreg:$0x1];
	p0 =	sne.s32 s2, $0x0  }
0x14d: {  	s3 =	rddreg [dreg:$0x2];
	[bflag:$0x3] =	sbarrier.arrive $0xFFFF;
	s2 =	simm.s32 @!p0 $0x1C0D  }
0x14e: {  	[timem:s3], [sflag:s2] =	dma.local @!p0 [hbm:s0], s1  }
0x14f: {  	s0 =	simm.s32 @!p0 $0xD  }
0x150: {  	_ =	swait.ge @!p0 [sflag:s0], s1  }
0x151: {  	s1 =	ssub.s32 @!p0 $0x0, s1;
	[sflag:s0] =	ssyncset.done @!p0 $0x0  }
0x152: {  	[sflag:s0] =	ssyncadd.s32 @!p0 s1  }
0x153: {  	[bflag:$0x3] =	sbarrier.arrive $0xFFFF  }
0x154: {  	_ =	shalt  }

</sc_bundles>
